<compile_context>
chip_gen: v7x
topology: tpu7x:2x2x1
jax: 0.10.2.dev20260603
libtpu: 0.0.44.dev20260713+nightly
codegen_flags: <defaults>
</compile_context>

<pallas_src>
import functools

import jax
import jax.numpy as jnp
from jax import lax
from jax.experimental import pallas as pl
from jax.experimental.pallas import tpu as pltpu
from jax.experimental.pallas import tpu_sc as plsc

_ROWS = 2 * 8192
_COLS = 2048

_SC_ROWS = 2048
_TC_ROWS = _ROWS - _SC_ROWS
_TC_BLOCK_ROWS = 1024

_SC_NC = 2
_SC_NS = 16
_SC_WORKERS = _SC_NC * _SC_NS
_ROWS_W = _SC_ROWS // _SC_WORKERS
_STRIP = 8
_NCHUNK = _ROWS_W // _STRIP
_LANES = 16

assert _ROWS_W % _STRIP == 0 and _NCHUNK % 2 == 0


def _tc_kernel(p_ref, t_ref, out_ref, acc_ref):
    i = pl.program_id(0)
    n = pl.num_programs(0)
    p = p_ref[...]
    t = t_ref[...]
    d = p - t
    mask = t != 0.0
    s = jnp.sum(jnp.where(mask, d * d, 0.0))
    c = jnp.sum(jnp.where(mask, 1.0, 0.0))

    @pl.when(i == 0)
    def _init():
        acc_ref[0] = 0.0
        acc_ref[1] = 0.0

    acc_ref[0] += s
    acc_ref[1] += c

    @pl.when(i == n - 1)
    def _fini():
        out_ref[0] = acc_ref[0]
        out_ref[1] = acc_ref[1]


def _sc_body(p_hbm, t_hbm, out_hbm,
             pbuf0, pbuf1, tbuf0, tbuf1, obuf, sp0, sp1, st0, st1):
    cc = lax.axis_index("c")
    ss = lax.axis_index("s")
    wid = ss * _SC_NC + cc
    row0 = _TC_ROWS + wid * _ROWS_W
    pbufs = (pbuf0, pbuf1)
    tbufs = (tbuf0, tbuf1)
    psems = (sp0, sp1)
    tsems = (st0, st1)

    def copies(slot, ci):
        r = row0 + ci * _STRIP
        return (
            pltpu.make_async_copy(p_hbm.at[pl.ds(r, _STRIP)], pbufs[slot],
                                  psems[slot]),
            pltpu.make_async_copy(t_hbm.at[pl.ds(r, _STRIP)], tbufs[slot],
                                  tsems[slot]),
        )

    def start(slot, ci):
        cp, ct = copies(slot, ci)
        cp.start()
        ct.start()

    def wait(slot, ci):
        cp, ct = copies(slot, ci)
        cp.wait()
        ct.wait()

    zf = jnp.zeros((_LANES,), jnp.float32)

    def chunk_sums(slot, s_accs, c_accs):
        pb = pbufs[slot]
        tb = tbufs[slot]

        def body(i, carry):
            s_a, c_a = carry
            col = i * _LANES
            s_l = list(s_a)
            c_l = list(c_a)
            for r in range(_STRIP):
                pv = pb[r, pl.ds(col, _LANES)]
                tv = tb[r, pl.ds(col, _LANES)]
                m = tv != 0.0
                dm = jnp.where(m, pv - tv, 0.0)
                s_l[r] = s_l[r] + dm * dm
                c_l[r] = c_l[r] + jnp.where(m, 1.0, 0.0)
            return tuple(s_l), tuple(c_l)

        return lax.fori_loop(0, _COLS // _LANES, body, (s_accs, c_accs))

    s_accs = (zf,) * _STRIP
    c_accs = (zf,) * _STRIP

    start(0, 0)

    def outer(g, carry):
        s_a, c_a = carry
        for b in range(2):
            ci = g + b
            nxt = ci + 1

            @pl.when(nxt < _NCHUNK)
            def _():
                start((b + 1) % 2, nxt)

            wait(b, ci)
            s_a, c_a = chunk_sums(b, s_a, c_a)
        return s_a, c_a

    s_accs, c_accs = lax.fori_loop(0, _NCHUNK // 2,
                                   lambda g, cr: outer(g * 2, cr),
                                   (s_accs, c_accs))

    s_tot = s_accs[0]
    c_tot = c_accs[0]
    for r in range(1, _STRIP):
        s_tot = s_tot + s_accs[r]
        c_tot = c_tot + c_accs[r]
    obuf[0, pl.ds(0, _LANES)] = s_tot
    obuf[1, pl.ds(0, _LANES)] = c_tot
    pltpu.sync_copy(obuf, out_hbm.at[wid])


_sc_call = functools.partial(
    pl.kernel,
    out_type=jax.ShapeDtypeStruct((_SC_WORKERS, _STRIP, 128), jnp.float32),
    mesh=plsc.VectorSubcoreMesh(core_axis_name="c", subcore_axis_name="s"),
    scratch_types=[
        pltpu.VMEM((_STRIP, _COLS), jnp.float32),
        pltpu.VMEM((_STRIP, _COLS), jnp.float32),
        pltpu.VMEM((_STRIP, _COLS), jnp.float32),
        pltpu.VMEM((_STRIP, _COLS), jnp.float32),
        pltpu.VMEM((_STRIP, 128), jnp.float32),
        pltpu.SemaphoreType.DMA,
        pltpu.SemaphoreType.DMA,
        pltpu.SemaphoreType.DMA,
        pltpu.SemaphoreType.DMA,
    ],
    compiler_params=pltpu.CompilerParams(use_tc_tiling_on_sc=True,
                                         vmem_limit_bytes=4 * 1024 * 1024),
)(_sc_body)


_SC_ONLY_PROBE = True


def kernel(prediction, target):
    p2 = prediction.reshape(_ROWS, _COLS)
    t2 = target.reshape(_ROWS, _COLS)

    sc_out = _sc_call(p2, t2)
    if _SC_ONLY_PROBE:
        pt = p2[:_TC_ROWS]
        tt = t2[:_TC_ROWS]
        m = tt != 0.0
        d = pt - tt
        s = jnp.sum(jnp.where(m, d * d, 0.0)) + jnp.sum(sc_out[:, 0, :_LANES])
        c = jnp.sum(m.astype(jnp.float32)) + jnp.sum(sc_out[:, 1, :_LANES])
        return s / c

    tc_out = pl.pallas_call(
        _tc_kernel,
        grid=(_TC_ROWS // _TC_BLOCK_ROWS,),
        in_specs=[
            pl.BlockSpec((_TC_BLOCK_ROWS, _COLS), lambda i: (i, 0)),
            pl.BlockSpec((_TC_BLOCK_ROWS, _COLS), lambda i: (i, 0)),
        ],
        out_specs=pl.BlockSpec(memory_space=pltpu.SMEM),
        out_shape=jax.ShapeDtypeStruct((2,), jnp.float32),
        scratch_shapes=[pltpu.SMEM((2,), jnp.float32)],
        compiler_params=pltpu.CompilerParams(skip_device_barrier=True),
    )(p2, t2)

    s = tc_out[0] + jnp.sum(sc_out[:, 0, :_LANES])
    c = tc_out[1] + jnp.sum(sc_out[:, 1, :_LANES])
    return s / c

# --- scband reference (transcript-rebuilt; emitter-appended) ---
"""Pipeline reference for scband-mseloss-2345052144331 (READ-ONLY COPY).

The authoritative reference and input builder live on the scoring server;
editing this copy changes nothing except your own understanding.
"""

import jax, jax.numpy as jnp
import numpy as np


def setup_inputs(seed: int = 0) -> dict:
    key = jax.random.key(seed)
    k1, k2 = jax.random.split(key)
    prediction = jax.random.normal(k1, (2, 8192, 2048), dtype=jnp.float32)
    target = jax.random.normal(k2, (2, 8192, 2048), dtype=jnp.float32)
    return {"prediction": prediction, "target": target}


def reference(prediction, target):
    # mask = target != 0; MSE over masked elements (mean reduction)
    mask = target != 0
    diff = prediction - target
    sq = diff * diff
    masked_sum = jnp.sum(jnp.where(mask, sq, jnp.zeros_like(sq)))
    count = jnp.sum(mask.astype(jnp.float32))
    return masked_sum / count

if __name__ == "__main__":
    import jax
    _d = setup_inputs()
    print(jax.jit(kernel)(*tuple(_d.values())))

</pallas_src>

<mosaic_0001>
#map = affine_map<(d0, d1) -> (0, 0)>
#map1 = affine_map<(d0, d1) -> (0, 0, 0)>
module attributes {stable_mosaic.version = 14 : i64} {
  func.func @_sc_body(%arg0: i32, %arg1: i32, %arg2: memref<16384x2048xf32, #tpu.memory_space<hbm>>, %arg3: memref<16384x2048xf32, #tpu.memory_space<hbm>>, %arg4: memref<32x8x128xf32, #tpu.memory_space<hbm>>, %arg5: memref<8x2048xf32, #tpu.memory_space<vmem>>, %arg6: memref<8x2048xf32, #tpu.memory_space<vmem>>, %arg7: memref<8x2048xf32, #tpu.memory_space<vmem>>, %arg8: memref<8x2048xf32, #tpu.memory_space<vmem>>, %arg9: memref<8x128xf32, #tpu.memory_space<vmem>>, %arg10: memref<!tpu.dma_semaphore, #tpu.memory_space<semaphore_mem>>, %arg11: memref<!tpu.dma_semaphore, #tpu.memory_space<semaphore_mem>>, %arg12: memref<!tpu.dma_semaphore, #tpu.memory_space<semaphore_mem>>, %arg13: memref<!tpu.dma_semaphore, #tpu.memory_space<semaphore_mem>>) attributes {dimension_semantics = [#tpu.dimension_semantics<core_parallel>, #tpu.dimension_semantics<subcore_parallel>], iteration_bounds = array<i64: 2, 16>, scalar_prefetch = 0 : i64, scratch_operands = 9 : i64, tpu.core_type = #tpu.core_type<sc_vector_subcore>, window_params = [{transform_indices = #map}, {transform_indices = #map}, {transform_indices = #map1}]} {
    %mul3A = arith.constant 2 : i32
    %mul3A_0 = arith.muli %arg1, %mul3A : i32
    %add3A = arith.addi %mul3A_0, %arg0 : i32
    %mul3A_1 = arith.constant 64 : i32
    %mul3A_2 = arith.muli %add3A, %mul3A_1 : i32
    %add3A_3 = arith.constant 14336 : i32
    %add3A_4 = arith.addi %add3A_3, %mul3A_2 : i32
    %broadcast_in_dim3A = arith.constant 0.000000e+00 : f32
    %broadcast_in_dim3A_5 = vector.broadcast %broadcast_in_dim3A : f32 to vector<16xf32>
    %add3A_6 = arith.constant 0 : i32
    %add3A_7 = arith.addi %add3A_4, %add3A_6 : i32
    %dma_start3A = arith.constant 0 : i32
    %dma_start3A_8 = tpu.memref_slice %arg2[%add3A_7, %dma_start3A] : memref<16384x2048xf32, #tpu.memory_space<hbm>> -> memref<8x2048xf32, #tpu.memory_space<hbm>>
    %dma_start3A_9 = arith.constant 0 : i32
    %dma_start3A_10 = tpu.memref_slice %arg2[%add3A_7, %dma_start3A_9] : memref<16384x2048xf32, #tpu.memory_space<hbm>> -> memref<8x2048xf32, #tpu.memory_space<hbm>>
    tpu.enqueue_dma source(%dma_start3A_10 : memref<8x2048xf32, #tpu.memory_space<hbm>>) target(%arg5 : memref<8x2048xf32, #tpu.memory_space<vmem>>) target_semaphore(%arg10 : memref<!tpu.dma_semaphore, #tpu.memory_space<semaphore_mem>>)
    %dma_start3A_11 = arith.constant 0 : i32
    %dma_start3A_12 = tpu.memref_slice %arg3[%add3A_7, %dma_start3A_11] : memref<16384x2048xf32, #tpu.memory_space<hbm>> -> memref<8x2048xf32, #tpu.memory_space<hbm>>
    %dma_start3A_13 = arith.constant 0 : i32
    %dma_start3A_14 = tpu.memref_slice %arg3[%add3A_7, %dma_start3A_13] : memref<16384x2048xf32, #tpu.memory_space<hbm>> -> memref<8x2048xf32, #tpu.memory_space<hbm>>
    tpu.enqueue_dma source(%dma_start3A_14 : memref<8x2048xf32, #tpu.memory_space<hbm>>) target(%arg7 : memref<8x2048xf32, #tpu.memory_space<vmem>>) target_semaphore(%arg12 : memref<!tpu.dma_semaphore, #tpu.memory_space<semaphore_mem>>)
    %scan3A = arith.constant 0 : i32
    %scan3A_15 = arith.constant 4 : i32
    %scan3A_16 = arith.addi %scan3A, %scan3A_15 : i32
    %scan3A_17 = arith.constant 1 : i32
    %scan3A_18:16 = scf.for %scan3A_45 = %scan3A to %scan3A_16 step %scan3A_17 iter_args(%scan3A_46 = %broadcast_in_dim3A_5, %scan3A_47 = %broadcast_in_dim3A_5, %scan3A_48 = %broadcast_in_dim3A_5, %scan3A_49 = %broadcast_in_dim3A_5, %scan3A_50 = %broadcast_in_dim3A_5, %scan3A_51 = %broadcast_in_dim3A_5, %scan3A_52 = %broadcast_in_dim3A_5, %scan3A_53 = %broadcast_in_dim3A_5, %scan3A_54 = %broadcast_in_dim3A_5, %scan3A_55 = %broadcast_in_dim3A_5, %scan3A_56 = %broadcast_in_dim3A_5, %scan3A_57 = %broadcast_in_dim3A_5, %scan3A_58 = %broadcast_in_dim3A_5, %scan3A_59 = %broadcast_in_dim3A_5, %scan3A_60 = %broadcast_in_dim3A_5, %scan3A_61 = %broadcast_in_dim3A_5) -> (vector<16xf32>, vector<16xf32>, vector<16xf32>, vector<16xf32>, vector<16xf32>, vector<16xf32>, vector<16xf32>, vector<16xf32>, vector<16xf32>, vector<16xf32>, vector<16xf32>, vector<16xf32>, vector<16xf32>, vector<16xf32>, vector<16xf32>, vector<16xf32>)  : i32 {
      %mul3A_62 = arith.constant 2 : i32
      %mul3A_63 = arith.muli %scan3A_45, %mul3A_62 : i32
      %add3A_64 = arith.constant 0 : i32
      %add3A_65 = arith.addi %mul3A_63, %add3A_64 : i32
      %add3A_66 = arith.constant 1 : i32
      %add3A_67 = arith.addi %add3A_65, %add3A_66 : i32
      %lt3A = arith.constant 8 : i32
      %lt3A_68 = arith.cmpi slt, %add3A_67, %lt3A : i32
      %convert_element_type3A = arith.extui %lt3A_68 : i1 to i32
      %cond3A = arith.constant 0 : i32
      %cond3A_69 = arith.cmpi ne, %convert_element_type3A, %cond3A : i32
      scf.if %cond3A_69 {
        %mul3A_112 = arith.constant 8 : i32
        %mul3A_113 = arith.muli %add3A_67, %mul3A_112 : i32
        %add3A_114 = arith.addi %add3A_4, %mul3A_113 : i32
        %dma_start3A_115 = arith.constant 0 : i32
        %dma_start3A_116 = tpu.memref_slice %arg2[%add3A_114, %dma_start3A_115] : memref<16384x2048xf32, #tpu.memory_space<hbm>> -> memref<8x2048xf32, #tpu.memory_space<hbm>>
        %dma_start3A_117 = arith.constant 0 : i32
        %dma_start3A_118 = tpu.memref_slice %arg2[%add3A_114, %dma_start3A_117] : memref<16384x2048xf32, #tpu.memory_space<hbm>> -> memref<8x2048xf32, #tpu.memory_space<hbm>>
        tpu.enqueue_dma source(%dma_start3A_118 : memref<8x2048xf32, #tpu.memory_space<hbm>>) target(%arg6 : memref<8x2048xf32, #tpu.memory_space<vmem>>) target_semaphore(%arg11 : memref<!tpu.dma_semaphore, #tpu.memory_space<semaphore_mem>>)
        %dma_start3A_119 = arith.constant 0 : i32
        %dma_start3A_120 = tpu.memref_slice %arg3[%add3A_114, %dma_start3A_119] : memref<16384x2048xf32, #tpu.memory_space<hbm>> -> memref<8x2048xf32, #tpu.memory_space<hbm>>
        %dma_start3A_121 = arith.constant 0 : i32
        %dma_start3A_122 = tpu.memref_slice %arg3[%add3A_114, %dma_start3A_121] : memref<16384x2048xf32, #tpu.memory_space<hbm>> -> memref<8x2048xf32, #tpu.memory_space<hbm>>
        tpu.enqueue_dma source(%dma_start3A_122 : memref<8x2048xf32, #tpu.memory_space<hbm>>) target(%arg8 : memref<8x2048xf32, #tpu.memory_space<vmem>>) target_semaphore(%arg13 : memref<!tpu.dma_semaphore, #tpu.memory_space<semaphore_mem>>)
      } else {
      }
      %mul3A_70 = arith.constant 8 : i32
      %mul3A_71 = arith.muli %add3A_65, %mul3A_70 : i32
      %add3A_72 = arith.addi %add3A_4, %mul3A_71 : i32
      %dma_wait3A = arith.constant 0 : i32
      %dma_wait3A_73 = tpu.memref_slice %arg2[%add3A_72, %dma_wait3A] : memref<16384x2048xf32, #tpu.memory_space<hbm>> -> memref<8x2048xf32, #tpu.memory_space<hbm>>
      %dma_wait3A_74 = arith.constant 0 : i32
      %dma_wait3A_75 = tpu.memref_slice %arg2[%add3A_72, %dma_wait3A_74] : memref<16384x2048xf32, #tpu.memory_space<hbm>> -> memref<8x2048xf32, #tpu.memory_space<hbm>>
      tpu.wait_dma2 semaphore(%arg10 : memref<!tpu.dma_semaphore, #tpu.memory_space<semaphore_mem>>) src(%dma_wait3A_75 : memref<8x2048xf32, #tpu.memory_space<hbm>>) dst(%arg5 : memref<8x2048xf32, #tpu.memory_space<vmem>>)
      %dma_wait3A_76 = arith.constant 0 : i32
      %dma_wait3A_77 = tpu.memref_slice %arg3[%add3A_72, %dma_wait3A_76] : memref<16384x2048xf32, #tpu.memory_space<hbm>> -> memref<8x2048xf32, #tpu.memory_space<hbm>>
      %dma_wait3A_78 = arith.constant 0 : i32
      %dma_wait3A_79 = tpu.memref_slice %arg3[%add3A_72, %dma_wait3A_78] : memref<16384x2048xf32, #tpu.memory_space<hbm>> -> memref<8x2048xf32, #tpu.memory_space<hbm>>
      tpu.wait_dma2 semaphore(%arg12 : memref<!tpu.dma_semaphore, #tpu.memory_space<semaphore_mem>>) src(%dma_wait3A_79 : memref<8x2048xf32, #tpu.memory_space<hbm>>) dst(%arg7 : memref<8x2048xf32, #tpu.memory_space<vmem>>)
      %scan3A_80 = arith.constant 0 : i32
      %scan3A_81 = arith.constant 128 : i32
      %scan3A_82 = arith.addi %scan3A_80, %scan3A_81 : i32
      %scan3A_83 = arith.constant 1 : i32
      %scan3A_84:16 = scf.for %scan3A_112 = %scan3A_80 to %scan3A_82 step %scan3A_83 iter_args(%scan3A_113 = %scan3A_46, %scan3A_114 = %scan3A_47, %scan3A_115 = %scan3A_48, %scan3A_116 = %scan3A_49, %scan3A_117 = %scan3A_50, %scan3A_118 = %scan3A_51, %scan3A_119 = %scan3A_52, %scan3A_120 = %scan3A_53, %scan3A_121 = %scan3A_54, %scan3A_122 = %scan3A_55, %scan3A_123 = %scan3A_56, %scan3A_124 = %scan3A_57, %scan3A_125 = %scan3A_58, %scan3A_126 = %scan3A_59, %scan3A_127 = %scan3A_60, %scan3A_128 = %scan3A_61) -> (vector<16xf32>, vector<16xf32>, vector<16xf32>, vector<16xf32>, vector<16xf32>, vector<16xf32>, vector<16xf32>, vector<16xf32>, vector<16xf32>, vector<16xf32>, vector<16xf32>, vector<16xf32>, vector<16xf32>, vector<16xf32>, vector<16xf32>, vector<16xf32>)  : i32 {
        %mul3A_129 = arith.constant 16 : i32
        %mul3A_130 = arith.muli %scan3A_112, %mul3A_129 : i32
        %get3A = arith.constant 0 : i32
        %get3A_131 = arith.index_cast %get3A : i32 to index
        %get3A_132 = arith.index_cast %mul3A_130 : i32 to index
        %get3A_133 = tpu.vector_load %arg5[%get3A_131, %get3A_132] {strides = array<i32>} : memref<8x2048xf32, #tpu.memory_space<vmem>>, vector<1x16xf32>,
        %get3A_134 = vector.shape_cast %get3A_133 : vector<1x16xf32> to vector<16xf32>
        %get3A_135 = arith.constant 0 : i32
        %get3A_136 = arith.index_cast %get3A_135 : i32 to index
        %get3A_137 = arith.index_cast %mul3A_130 : i32 to index
        %get3A_138 = tpu.vector_load %arg7[%get3A_136, %get3A_137] {strides = array<i32>} : memref<8x2048xf32, #tpu.memory_space<vmem>>, vector<1x16xf32>,
        %get3A_139 = vector.shape_cast %get3A_138 : vector<1x16xf32> to vector<16xf32>
        %ne3A = arith.constant 0.000000e+00 : f32
        %ne3A_140 = vector.broadcast %ne3A : f32 to vector<16xf32>
        %ne3A_141 = arith.cmpf one, %get3A_139, %ne3A_140 : vector<16xf32>
        %sub3A = arith.subf %get3A_134, %get3A_139 : vector<16xf32>
        %jit3A = arith.constant 0.000000e+00 : f32
        %broadcast_in_dim3A_142 = vector.broadcast %jit3A : f32 to vector<16xf32>
        %select_n3A = arith.select %ne3A_141, %sub3A, %broadcast_in_dim3A_142 : vector<16xi1>, vector<16xf32>
        %mul3A_143 = arith.mulf %select_n3A, %select_n3A : vector<16xf32>
        %add3A_144 = arith.addf %scan3A_113, %mul3A_143 : vector<16xf32>
        %jit3A_145 = arith.constant 1.000000e+00 : f32
        %jit3A_146 = arith.constant 0.000000e+00 : f32
        %broadcast_in_dim3A_147 = vector.broadcast %jit3A_145 : f32 to vector<16xf32>
        %broadcast_in_dim3A_148 = vector.broadcast %jit3A_146 : f32 to vector<16xf32>
        %select_n3A_149 = arith.select %ne3A_141, %broadcast_in_dim3A_147, %broadcast_in_dim3A_148 : vector<16xi1>, vector<16xf32>
        %add3A_150 = arith.addf %scan3A_121, %select_n3A_149 : vector<16xf32>
        %get3A_151 = arith.constant 1 : i32
        %get3A_152 = arith.index_cast %get3A_151 : i32 to index
        %get3A_153 = arith.index_cast %mul3A_130 : i32 to index
        %get3A_154 = tpu.vector_load %arg5[%get3A_152, %get3A_153] {strides = array<i32>} : memref<8x2048xf32, #tpu.memory_space<vmem>>, vector<1x16xf32>,
        %get3A_155 = vector.shape_cast %get3A_154 : vector<1x16xf32> to vector<16xf32>
        %get3A_156 = arith.constant 1 : i32
        %get3A_157 = arith.index_cast %get3A_156 : i32 to index
        %get3A_158 = arith.index_cast %mul3A_130 : i32 to index
        %get3A_159 = tpu.vector_load %arg7[%get3A_157, %get3A_158] {strides = array<i32>} : memref<8x2048xf32, #tpu.memory_space<vmem>>, vector<1x16xf32>,
        %get3A_160 = vector.shape_cast %get3A_159 : vector<1x16xf32> to vector<16xf32>
        %ne3A_161 = arith.constant 0.000000e+00 : f32
        %ne3A_162 = vector.broadcast %ne3A_161 : f32 to vector<16xf32>
        %ne3A_163 = arith.cmpf one, %get3A_160, %ne3A_162 : vector<16xf32>
        %sub3A_164 = arith.subf %get3A_155, %get3A_160 : vector<16xf32>
        %jit3A_165 = arith.constant 0.000000e+00 : f32
        %broadcast_in_dim3A_166 = vector.broadcast %jit3A_165 : f32 to vector<16xf32>
        %select_n3A_167 = arith.select %ne3A_163, %sub3A_164, %broadcast_in_dim3A_166 : vector<16xi1>, vector<16xf32>
        %mul3A_168 = arith.mulf %select_n3A_167, %select_n3A_167 : vector<16xf32>
        %add3A_169 = arith.addf %scan3A_114, %mul3A_168 : vector<16xf32>
        %jit3A_170 = arith.constant 1.000000e+00 : f32
        %jit3A_171 = arith.constant 0.000000e+00 : f32
        %broadcast_in_dim3A_172 = vector.broadcast %jit3A_170 : f32 to vector<16xf32>
        %broadcast_in_dim3A_173 = vector.broadcast %jit3A_171 : f32 to vector<16xf32>
        %select_n3A_174 = arith.select %ne3A_163, %broadcast_in_dim3A_172, %broadcast_in_dim3A_173 : vector<16xi1>, vector<16xf32>
        %add3A_175 = arith.addf %scan3A_122, %select_n3A_174 : vector<16xf32>
        %get3A_176 = arith.constant 2 : i32
        %get3A_177 = arith.index_cast %get3A_176 : i32 to index
        %get3A_178 = arith.index_cast %mul3A_130 : i32 to index
        %get3A_179 = tpu.vector_load %arg5[%get3A_177, %get3A_178] {strides = array<i32>} : memref<8x2048xf32, #tpu.memory_space<vmem>>, vector<1x16xf32>,
        %get3A_180 = vector.shape_cast %get3A_179 : vector<1x16xf32> to vector<16xf32>
        %get3A_181 = arith.constant 2 : i32
        %get3A_182 = arith.index_cast %get3A_181 : i32 to index
        %get3A_183 = arith.index_cast %mul3A_130 : i32 to index
        %get3A_184 = tpu.vector_load %arg7[%get3A_182, %get3A_183] {strides = array<i32>} : memref<8x2048xf32, #tpu.memory_space<vmem>>, vector<1x16xf32>,
        %get3A_185 = vector.shape_cast %get3A_184 : vector<1x16xf32> to vector<16xf32>
        %ne3A_186 = arith.constant 0.000000e+00 : f32
        %ne3A_187 = vector.broadcast %ne3A_186 : f32 to vector<16xf32>
        %ne3A_188 = arith.cmpf one, %get3A_185, %ne3A_187 : vector<16xf32>
        %sub3A_189 = arith.subf %get3A_180, %get3A_185 : vector<16xf32>
        %jit3A_190 = arith.constant 0.000000e+00 : f32
        %broadcast_in_dim3A_191 = vector.broadcast %jit3A_190 : f32 to vector<16xf32>
        %select_n3A_192 = arith.select %ne3A_188, %sub3A_189, %broadcast_in_dim3A_191 : vector<16xi1>, vector<16xf32>
        %mul3A_193 = arith.mulf %select_n3A_192, %select_n3A_192 : vector<16xf32>
        %add3A_194 = arith.addf %scan3A_115, %mul3A_193 : vector<16xf32>
        %jit3A_195 = arith.constant 1.000000e+00 : f32
        %jit3A_196 = arith.constant 0.000000e+00 : f32
        %broadcast_in_dim3A_197 = vector.broadcast %jit3A_195 : f32 to vector<16xf32>
        %broadcast_in_dim3A_198 = vector.broadcast %jit3A_196 : f32 to vector<16xf32>
        %select_n3A_199 = arith.select %ne3A_188, %broadcast_in_dim3A_197, %broadcast_in_dim3A_198 : vector<16xi1>, vector<16xf32>
        %add3A_200 = arith.addf %scan3A_123, %select_n3A_199 : vector<16xf32>
        %get3A_201 = arith.constant 3 : i32
        %get3A_202 = arith.index_cast %get3A_201 : i32 to index
        %get3A_203 = arith.index_cast %mul3A_130 : i32 to index
        %get3A_204 = tpu.vector_load %arg5[%get3A_202, %get3A_203] {strides = array<i32>} : memref<8x2048xf32, #tpu.memory_space<vmem>>, vector<1x16xf32>,
        %get3A_205 = vector.shape_cast %get3A_204 : vector<1x16xf32> to vector<16xf32>
        %get3A_206 = arith.constant 3 : i32
        %get3A_207 = arith.index_cast %get3A_206 : i32 to index
        %get3A_208 = arith.index_cast %mul3A_130 : i32 to index
        %get3A_209 = tpu.vector_load %arg7[%get3A_207, %get3A_208] {strides = array<i32>} : memref<8x2048xf32, #tpu.memory_space<vmem>>, vector<1x16xf32>,
        %get3A_210 = vector.shape_cast %get3A_209 : vector<1x16xf32> to vector<16xf32>
        %ne3A_211 = arith.constant 0.000000e+00 : f32
        %ne3A_212 = vector.broadcast %ne3A_211 : f32 to vector<16xf32>
        %ne3A_213 = arith.cmpf one, %get3A_210, %ne3A_212 : vector<16xf32>
        %sub3A_214 = arith.subf %get3A_205, %get3A_210 : vector<16xf32>
        %jit3A_215 = arith.constant 0.000000e+00 : f32
        %broadcast_in_dim3A_216 = vector.broadcast %jit3A_215 : f32 to vector<16xf32>
        %select_n3A_217 = arith.select %ne3A_213, %sub3A_214, %broadcast_in_dim3A_216 : vector<16xi1>, vector<16xf32>
        %mul3A_218 = arith.mulf %select_n3A_217, %select_n3A_217 : vector<16xf32>
        %add3A_219 = arith.addf %scan3A_116, %mul3A_218 : vector<16xf32>
        %jit3A_220 = arith.constant 1.000000e+00 : f32
        %jit3A_221 = arith.constant 0.000000e+00 : f32
        %broadcast_in_dim3A_222 = vector.broadcast %jit3A_220 : f32 to vector<16xf32>
        %broadcast_in_dim3A_223 = vector.broadcast %jit3A_221 : f32 to vector<16xf32>
        %select_n3A_224 = arith.select %ne3A_213, %broadcast_in_dim3A_222, %broadcast_in_dim3A_223 : vector<16xi1>, vector<16xf32>
        %add3A_225 = arith.addf %scan3A_124, %select_n3A_224 : vector<16xf32>
        %get3A_226 = arith.constant 4 : i32
        %get3A_227 = arith.index_cast %get3A_226 : i32 to index
        %get3A_228 = arith.index_cast %mul3A_130 : i32 to index
        %get3A_229 = tpu.vector_load %arg5[%get3A_227, %get3A_228] {strides = array<i32>} : memref<8x2048xf32, #tpu.memory_space<vmem>>, vector<1x16xf32>,
        %get3A_230 = vector.shape_cast %get3A_229 : vector<1x16xf32> to vector<16xf32>
        %get3A_231 = arith.constant 4 : i32
        %get3A_232 = arith.index_cast %get3A_231 : i32 to index
        %get3A_233 = arith.index_cast %mul3A_130 : i32 to index
        %get3A_234 = tpu.vector_load %arg7[%get3A_232, %get3A_233] {strides = array<i32>} : memref<8x2048xf32, #tpu.memory_space<vmem>>, vector<1x16xf32>,
        %get3A_235 = vector.shape_cast %get3A_234 : vector<1x16xf32> to vector<16xf32>
        %ne3A_236 = arith.constant 0.000000e+00 : f32
        %ne3A_237 = vector.broadcast %ne3A_236 : f32 to vector<16xf32>
        %ne3A_238 = arith.cmpf one, %get3A_235, %ne3A_237 : vector<16xf32>
        %sub3A_239 = arith.subf %get3A_230, %get3A_235 : vector<16xf32>
        %jit3A_240 = arith.constant 0.000000e+00 : f32
        %broadcast_in_dim3A_241 = vector.broadcast %jit3A_240 : f32 to vector<16xf32>
        %select_n3A_242 = arith.select %ne3A_238, %sub3A_239, %broadcast_in_dim3A_241 : vector<16xi1>, vector<16xf32>
        %mul3A_243 = arith.mulf %select_n3A_242, %select_n3A_242 : vector<16xf32>
        %add3A_244 = arith.addf %scan3A_117, %mul3A_243 : vector<16xf32>
        %jit3A_245 = arith.constant 1.000000e+00 : f32
        %jit3A_246 = arith.constant 0.000000e+00 : f32
        %broadcast_in_dim3A_247 = vector.broadcast %jit3A_245 : f32 to vector<16xf32>
        %broadcast_in_dim3A_248 = vector.broadcast %jit3A_246 : f32 to vector<16xf32>
        %select_n3A_249 = arith.select %ne3A_238, %broadcast_in_dim3A_247, %broadcast_in_dim3A_248 : vector<16xi1>, vector<16xf32>
        %add3A_250 = arith.addf %scan3A_125, %select_n3A_249 : vector<16xf32>
        %get3A_251 = arith.constant 5 : i32
        %get3A_252 = arith.index_cast %get3A_251 : i32 to index
        %get3A_253 = arith.index_cast %mul3A_130 : i32 to index
        %get3A_254 = tpu.vector_load %arg5[%get3A_252, %get3A_253] {strides = array<i32>} : memref<8x2048xf32, #tpu.memory_space<vmem>>, vector<1x16xf32>,
        %get3A_255 = vector.shape_cast %get3A_254 : vector<1x16xf32> to vector<16xf32>
        %get3A_256 = arith.constant 5 : i32
        %get3A_257 = arith.index_cast %get3A_256 : i32 to index
        %get3A_258 = arith.index_cast %mul3A_130 : i32 to index
        %get3A_259 = tpu.vector_load %arg7[%get3A_257, %get3A_258] {strides = array<i32>} : memref<8x2048xf32, #tpu.memory_space<vmem>>, vector<1x16xf32>,
        %get3A_260 = vector.shape_cast %get3A_259 : vector<1x16xf32> to vector<16xf32>
        %ne3A_261 = arith.constant 0.000000e+00 : f32
        %ne3A_262 = vector.broadcast %ne3A_261 : f32 to vector<16xf32>
        %ne3A_263 = arith.cmpf one, %get3A_260, %ne3A_262 : vector<16xf32>
        %sub3A_264 = arith.subf %get3A_255, %get3A_260 : vector<16xf32>
        %jit3A_265 = arith.constant 0.000000e+00 : f32
        %broadcast_in_dim3A_266 = vector.broadcast %jit3A_265 : f32 to vector<16xf32>
        %select_n3A_267 = arith.select %ne3A_263, %sub3A_264, %broadcast_in_dim3A_266 : vector<16xi1>, vector<16xf32>
        %mul3A_268 = arith.mulf %select_n3A_267, %select_n3A_267 : vector<16xf32>
        %add3A_269 = arith.addf %scan3A_118, %mul3A_268 : vector<16xf32>
        %jit3A_270 = arith.constant 1.000000e+00 : f32
        %jit3A_271 = arith.constant 0.000000e+00 : f32
        %broadcast_in_dim3A_272 = vector.broadcast %jit3A_270 : f32 to vector<16xf32>
        %broadcast_in_dim3A_273 = vector.broadcast %jit3A_271 : f32 to vector<16xf32>
        %select_n3A_274 = arith.select %ne3A_263, %broadcast_in_dim3A_272, %broadcast_in_dim3A_273 : vector<16xi1>, vector<16xf32>
        %add3A_275 = arith.addf %scan3A_126, %select_n3A_274 : vector<16xf32>
        %get3A_276 = arith.constant 6 : i32
        %get3A_277 = arith.index_cast %get3A_276 : i32 to index
        %get3A_278 = arith.index_cast %mul3A_130 : i32 to index
        %get3A_279 = tpu.vector_load %arg5[%get3A_277, %get3A_278] {strides = array<i32>} : memref<8x2048xf32, #tpu.memory_space<vmem>>, vector<1x16xf32>,
        %get3A_280 = vector.shape_cast %get3A_279 : vector<1x16xf32> to vector<16xf32>
        %get3A_281 = arith.constant 6 : i32
        %get3A_282 = arith.index_cast %get3A_281 : i32 to index
        %get3A_283 = arith.index_cast %mul3A_130 : i32 to index
        %get3A_284 = tpu.vector_load %arg7[%get3A_282, %get3A_283] {strides = array<i32>} : memref<8x2048xf32, #tpu.memory_space<vmem>>, vector<1x16xf32>,
        %get3A_285 = vector.shape_cast %get3A_284 : vector<1x16xf32> to vector<16xf32>
        %ne3A_286 = arith.constant 0.000000e+00 : f32
        %ne3A_287 = vector.broadcast %ne3A_286 : f32 to vector<16xf32>
        %ne3A_288 = arith.cmpf one, %get3A_285, %ne3A_287 : vector<16xf32>
        %sub3A_289 = arith.subf %get3A_280, %get3A_285 : vector<16xf32>
        %jit3A_290 = arith.constant 0.000000e+00 : f32
        %broadcast_in_dim3A_291 = vector.broadcast %jit3A_290 : f32 to vector<16xf32>
        %select_n3A_292 = arith.select %ne3A_288, %sub3A_289, %broadcast_in_dim3A_291 : vector<16xi1>, vector<16xf32>
        %mul3A_293 = arith.mulf %select_n3A_292, %select_n3A_292 : vector<16xf32>
        %add3A_294 = arith.addf %scan3A_119, %mul3A_293 : vector<16xf32>
        %jit3A_295 = arith.constant 1.000000e+00 : f32
        %jit3A_296 = arith.constant 0.000000e+00 : f32
        %broadcast_in_dim3A_297 = vector.broadcast %jit3A_295 : f32 to vector<16xf32>
        %broadcast_in_dim3A_298 = vector.broadcast %jit3A_296 : f32 to vector<16xf32>
        %select_n3A_299 = arith.select %ne3A_288, %broadcast_in_dim3A_297, %broadcast_in_dim3A_298 : vector<16xi1>, vector<16xf32>
        %add3A_300 = arith.addf %scan3A_127, %select_n3A_299 : vector<16xf32>
        %get3A_301 = arith.constant 7 : i32
        %get3A_302 = arith.index_cast %get3A_301 : i32 to index
        %get3A_303 = arith.index_cast %mul3A_130 : i32 to index
        %get3A_304 = tpu.vector_load %arg5[%get3A_302, %get3A_303] {strides = array<i32>} : memref<8x2048xf32, #tpu.memory_space<vmem>>, vector<1x16xf32>,
        %get3A_305 = vector.shape_cast %get3A_304 : vector<1x16xf32> to vector<16xf32>
        %get3A_306 = arith.constant 7 : i32
        %get3A_307 = arith.index_cast %get3A_306 : i32 to index
        %get3A_308 = arith.index_cast %mul3A_130 : i32 to index
        %get3A_309 = tpu.vector_load %arg7[%get3A_307, %get3A_308] {strides = array<i32>} : memref<8x2048xf32, #tpu.memory_space<vmem>>, vector<1x16xf32>,
        %get3A_310 = vector.shape_cast %get3A_309 : vector<1x16xf32> to vector<16xf32>
        %ne3A_311 = arith.constant 0.000000e+00 : f32
        %ne3A_312 = vector.broadcast %ne3A_311 : f32 to vector<16xf32>
        %ne3A_313 = arith.cmpf one, %get3A_310, %ne3A_312 : vector<16xf32>
        %sub3A_314 = arith.subf %get3A_305, %get3A_310 : vector<16xf32>
        %jit3A_315 = arith.constant 0.000000e+00 : f32
        %broadcast_in_dim3A_316 = vector.broadcast %jit3A_315 : f32 to vector<16xf32>
        %select_n3A_317 = arith.select %ne3A_313, %sub3A_314, %broadcast_in_dim3A_316 : vector<16xi1>, vector<16xf32>
        %mul3A_318 = arith.mulf %select_n3A_317, %select_n3A_317 : vector<16xf32>
        %add3A_319 = arith.addf %scan3A_120, %mul3A_318 : vector<16xf32>
        %jit3A_320 = arith.constant 1.000000e+00 : f32
        %jit3A_321 = arith.constant 0.000000e+00 : f32
        %broadcast_in_dim3A_322 = vector.broadcast %jit3A_320 : f32 to vector<16xf32>
        %broadcast_in_dim3A_323 = vector.broadcast %jit3A_321 : f32 to vector<16xf32>
        %select_n3A_324 = arith.select %ne3A_313, %broadcast_in_dim3A_322, %broadcast_in_dim3A_323 : vector<16xi1>, vector<16xf32>
        %add3A_325 = arith.addf %scan3A_128, %select_n3A_324 : vector<16xf32>
        scf.yield %add3A_144, %add3A_169, %add3A_194, %add3A_219, %add3A_244, %add3A_269, %add3A_294, %add3A_319, %add3A_150, %add3A_175, %add3A_200, %add3A_225, %add3A_250, %add3A_275, %add3A_300, %add3A_325 : vector<16xf32>, vector<16xf32>, vector<16xf32>, vector<16xf32>, vector<16xf32>, vector<16xf32>, vector<16xf32>, vector<16xf32>, vector<16xf32>, vector<16xf32>, vector<16xf32>, vector<16xf32>, vector<16xf32>, vector<16xf32>, vector<16xf32>, vector<16xf32>
      }
      %scan3A_85 = arith.constant 128 : i32
      %add3A_86 = arith.constant 1 : i32
      %add3A_87 = arith.addi %mul3A_63, %add3A_86 : i32
      %add3A_88 = arith.constant 1 : i32
      %add3A_89 = arith.addi %add3A_87, %add3A_88 : i32
      %lt3A_90 = arith.constant 8 : i32
      %lt3A_91 = arith.cmpi slt, %add3A_89, %lt3A_90 : i32
      %convert_element_type3A_92 = arith.extui %lt3A_91 : i1 to i32
      %cond3A_93 = arith.constant 0 : i32
      %cond3A_94 = arith.cmpi ne, %convert_element_type3A_92, %cond3A_93 : i32
      scf.if %cond3A_94 {
        %mul3A_112 = arith.constant 8 : i32
        %mul3A_113 = arith.muli %add3A_89, %mul3A_112 : i32
        %add3A_114 = arith.addi %add3A_4, %mul3A_113 : i32
        %dma_start3A_115 = arith.constant 0 : i32
        %dma_start3A_116 = tpu.memref_slice %arg2[%add3A_114, %dma_start3A_115] : memref<16384x2048xf32, #tpu.memory_space<hbm>> -> memref<8x2048xf32, #tpu.memory_space<hbm>>
        %dma_start3A_117 = arith.constant 0 : i32
        %dma_start3A_118 = tpu.memref_slice %arg2[%add3A_114, %dma_start3A_117] : memref<16384x2048xf32, #tpu.memory_space<hbm>> -> memref<8x2048xf32, #tpu.memory_space<hbm>>
        tpu.enqueue_dma source(%dma_start3A_118 : memref<8x2048xf32, #tpu.memory_space<hbm>>) target(%arg5 : memref<8x2048xf32, #tpu.memory_space<vmem>>) target_semaphore(%arg10 : memref<!tpu.dma_semaphore, #tpu.memory_space<semaphore_mem>>)
        %dma_start3A_119 = arith.constant 0 : i32
        %dma_start3A_120 = tpu.memref_slice %arg3[%add3A_114, %dma_start3A_119] : memref<16384x2048xf32, #tpu.memory_space<hbm>> -> memref<8x2048xf32, #tpu.memory_space<hbm>>
        %dma_start3A_121 = arith.constant 0 : i32
        %dma_start3A_122 = tpu.memref_slice %arg3[%add3A_114, %dma_start3A_121] : memref<16384x2048xf32, #tpu.memory_space<hbm>> -> memref<8x2048xf32, #tpu.memory_space<hbm>>
        tpu.enqueue_dma source(%dma_start3A_122 : memref<8x2048xf32, #tpu.memory_space<hbm>>) target(%arg7 : memref<8x2048xf32, #tpu.memory_space<vmem>>) target_semaphore(%arg12 : memref<!tpu.dma_semaphore, #tpu.memory_space<semaphore_mem>>)
      } else {
      }
      %mul3A_95 = arith.constant 8 : i32
      %mul3A_96 = arith.muli %add3A_87, %mul3A_95 : i32
      %add3A_97 = arith.addi %add3A_4, %mul3A_96 : i32
      %dma_wait3A_98 = arith.constant 0 : i32
      %dma_wait3A_99 = tpu.memref_slice %arg2[%add3A_97, %dma_wait3A_98] : memref<16384x2048xf32, #tpu.memory_space<hbm>> -> memref<8x2048xf32, #tpu.memory_space<hbm>>
      %dma_wait3A_100 = arith.constant 0 : i32
      %dma_wait3A_101 = tpu.memref_slice %arg2[%add3A_97, %dma_wait3A_100] : memref<16384x2048xf32, #tpu.memory_space<hbm>> -> memref<8x2048xf32, #tpu.memory_space<hbm>>
      tpu.wait_dma2 semaphore(%arg11 : memref<!tpu.dma_semaphore, #tpu.memory_space<semaphore_mem>>) src(%dma_wait3A_101 : memref<8x2048xf32, #tpu.memory_space<hbm>>) dst(%arg6 : memref<8x2048xf32, #tpu.memory_space<vmem>>)
      %dma_wait3A_102 = arith.constant 0 : i32
      %dma_wait3A_103 = tpu.memref_slice %arg3[%add3A_97, %dma_wait3A_102] : memref<16384x2048xf32, #tpu.memory_space<hbm>> -> memref<8x2048xf32, #tpu.memory_space<hbm>>
      %dma_wait3A_104 = arith.constant 0 : i32
      %dma_wait3A_105 = tpu.memref_slice %arg3[%add3A_97, %dma_wait3A_104] : memref<16384x2048xf32, #tpu.memory_space<hbm>> -> memref<8x2048xf32, #tpu.memory_space<hbm>>
      tpu.wait_dma2 semaphore(%arg13 : memref<!tpu.dma_semaphore, #tpu.memory_space<semaphore_mem>>) src(%dma_wait3A_105 : memref<8x2048xf32, #tpu.memory_space<hbm>>) dst(%arg8 : memref<8x2048xf32, #tpu.memory_space<vmem>>)
      %scan3A_106 = arith.constant 0 : i32
      %scan3A_107 = arith.constant 128 : i32
      %scan3A_108 = arith.addi %scan3A_106, %scan3A_107 : i32
      %scan3A_109 = arith.constant 1 : i32
      %scan3A_110:16 = scf.for %scan3A_112 = %scan3A_106 to %scan3A_108 step %scan3A_109 iter_args(%scan3A_113 = %scan3A_84#0, %scan3A_114 = %scan3A_84#1, %scan3A_115 = %scan3A_84#2, %scan3A_116 = %scan3A_84#3, %scan3A_117 = %scan3A_84#4, %scan3A_118 = %scan3A_84#5, %scan3A_119 = %scan3A_84#6, %scan3A_120 = %scan3A_84#7, %scan3A_121 = %scan3A_84#8, %scan3A_122 = %scan3A_84#9, %scan3A_123 = %scan3A_84#10, %scan3A_124 = %scan3A_84#11, %scan3A_125 = %scan3A_84#12, %scan3A_126 = %scan3A_84#13, %scan3A_127 = %scan3A_84#14, %scan3A_128 = %scan3A_84#15) -> (vector<16xf32>, vector<16xf32>, vector<16xf32>, vector<16xf32>, vector<16xf32>, vector<16xf32>, vector<16xf32>, vector<16xf32>, vector<16xf32>, vector<16xf32>, vector<16xf32>, vector<16xf32>, vector<16xf32>, vector<16xf32>, vector<16xf32>, vector<16xf32>)  : i32 {
        %mul3A_129 = arith.constant 16 : i32
        %mul3A_130 = arith.muli %scan3A_112, %mul3A_129 : i32
        %get3A = arith.constant 0 : i32
        %get3A_131 = arith.index_cast %get3A : i32 to index
        %get3A_132 = arith.index_cast %mul3A_130 : i32 to index
        %get3A_133 = tpu.vector_load %arg6[%get3A_131, %get3A_132] {strides = array<i32>} : memref<8x2048xf32, #tpu.memory_space<vmem>>, vector<1x16xf32>,
        %get3A_134 = vector.shape_cast %get3A_133 : vector<1x16xf32> to vector<16xf32>
        %get3A_135 = arith.constant 0 : i32
        %get3A_136 = arith.index_cast %get3A_135 : i32 to index
        %get3A_137 = arith.index_cast %mul3A_130 : i32 to index
        %get3A_138 = tpu.vector_load %arg8[%get3A_136, %get3A_137] {strides = array<i32>} : memref<8x2048xf32, #tpu.memory_space<vmem>>, vector<1x16xf32>,
        %get3A_139 = vector.shape_cast %get3A_138 : vector<1x16xf32> to vector<16xf32>
        %ne3A = arith.constant 0.000000e+00 : f32
        %ne3A_140 = vector.broadcast %ne3A : f32 to vector<16xf32>
        %ne3A_141 = arith.cmpf one, %get3A_139, %ne3A_140 : vector<16xf32>
        %sub3A = arith.subf %get3A_134, %get3A_139 : vector<16xf32>
        %jit3A = arith.constant 0.000000e+00 : f32
        %broadcast_in_dim3A_142 = vector.broadcast %jit3A : f32 to vector<16xf32>
        %select_n3A = arith.select %ne3A_141, %sub3A, %broadcast_in_dim3A_142 : vector<16xi1>, vector<16xf32>
        %mul3A_143 = arith.mulf %select_n3A, %select_n3A : vector<16xf32>
        %add3A_144 = arith.addf %scan3A_113, %mul3A_143 : vector<16xf32>
        %jit3A_145 = arith.constant 1.000000e+00 : f32
        %jit3A_146 = arith.constant 0.000000e+00 : f32
        %broadcast_in_dim3A_147 = vector.broadcast %jit3A_145 : f32 to vector<16xf32>
        %broadcast_in_dim3A_148 = vector.broadcast %jit3A_146 : f32 to vector<16xf32>
        %select_n3A_149 = arith.select %ne3A_141, %broadcast_in_dim3A_147, %broadcast_in_dim3A_148 : vector<16xi1>, vector<16xf32>
        %add3A_150 = arith.addf %scan3A_121, %select_n3A_149 : vector<16xf32>
        %get3A_151 = arith.constant 1 : i32
        %get3A_152 = arith.index_cast %get3A_151 : i32 to index
        %get3A_153 = arith.index_cast %mul3A_130 : i32 to index
        %get3A_154 = tpu.vector_load %arg6[%get3A_152, %get3A_153] {strides = array<i32>} : memref<8x2048xf32, #tpu.memory_space<vmem>>, vector<1x16xf32>,
        %get3A_155 = vector.shape_cast %get3A_154 : vector<1x16xf32> to vector<16xf32>
        %get3A_156 = arith.constant 1 : i32
        %get3A_157 = arith.index_cast %get3A_156 : i32 to index
        %get3A_158 = arith.index_cast %mul3A_130 : i32 to index
        %get3A_159 = tpu.vector_load %arg8[%get3A_157, %get3A_158] {strides = array<i32>} : memref<8x2048xf32, #tpu.memory_space<vmem>>, vector<1x16xf32>,
        %get3A_160 = vector.shape_cast %get3A_159 : vector<1x16xf32> to vector<16xf32>
        %ne3A_161 = arith.constant 0.000000e+00 : f32
        %ne3A_162 = vector.broadcast %ne3A_161 : f32 to vector<16xf32>
        %ne3A_163 = arith.cmpf one, %get3A_160, %ne3A_162 : vector<16xf32>
        %sub3A_164 = arith.subf %get3A_155, %get3A_160 : vector<16xf32>
        %jit3A_165 = arith.constant 0.000000e+00 : f32
        %broadcast_in_dim3A_166 = vector.broadcast %jit3A_165 : f32 to vector<16xf32>
        %select_n3A_167 = arith.select %ne3A_163, %sub3A_164, %broadcast_in_dim3A_166 : vector<16xi1>, vector<16xf32>
        %mul3A_168 = arith.mulf %select_n3A_167, %select_n3A_167 : vector<16xf32>
        %add3A_169 = arith.addf %scan3A_114, %mul3A_168 : vector<16xf32>
        %jit3A_170 = arith.constant 1.000000e+00 : f32
        %jit3A_171 = arith.constant 0.000000e+00 : f32
        %broadcast_in_dim3A_172 = vector.broadcast %jit3A_170 : f32 to vector<16xf32>
        %broadcast_in_dim3A_173 = vector.broadcast %jit3A_171 : f32 to vector<16xf32>
        %select_n3A_174 = arith.select %ne3A_163, %broadcast_in_dim3A_172, %broadcast_in_dim3A_173 : vector<16xi1>, vector<16xf32>
        %add3A_175 = arith.addf %scan3A_122, %select_n3A_174 : vector<16xf32>
        %get3A_176 = arith.constant 2 : i32
        %get3A_177 = arith.index_cast %get3A_176 : i32 to index
        %get3A_178 = arith.index_cast %mul3A_130 : i32 to index
        %get3A_179 = tpu.vector_load %arg6[%get3A_177, %get3A_178] {strides = array<i32>} : memref<8x2048xf32, #tpu.memory_space<vmem>>, vector<1x16xf32>,
        %get3A_180 = vector.shape_cast %get3A_179 : vector<1x16xf32> to vector<16xf32>
        %get3A_181 = arith.constant 2 : i32
        %get3A_182 = arith.index_cast %get3A_181 : i32 to index
        %get3A_183 = arith.index_cast %mul3A_130 : i32 to index
        %get3A_184 = tpu.vector_load %arg8[%get3A_182, %get3A_183] {strides = array<i32>} : memref<8x2048xf32, #tpu.memory_space<vmem>>, vector<1x16xf32>,
        %get3A_185 = vector.shape_cast %get3A_184 : vector<1x16xf32> to vector<16xf32>
        %ne3A_186 = arith.constant 0.000000e+00 : f32
        %ne3A_187 = vector.broadcast %ne3A_186 : f32 to vector<16xf32>
        %ne3A_188 = arith.cmpf one, %get3A_185, %ne3A_187 : vector<16xf32>
        %sub3A_189 = arith.subf %get3A_180, %get3A_185 : vector<16xf32>
        %jit3A_190 = arith.constant 0.000000e+00 : f32
        %broadcast_in_dim3A_191 = vector.broadcast %jit3A_190 : f32 to vector<16xf32>
        %select_n3A_192 = arith.select %ne3A_188, %sub3A_189, %broadcast_in_dim3A_191 : vector<16xi1>, vector<16xf32>
        %mul3A_193 = arith.mulf %select_n3A_192, %select_n3A_192 : vector<16xf32>
        %add3A_194 = arith.addf %scan3A_115, %mul3A_193 : vector<16xf32>
        %jit3A_195 = arith.constant 1.000000e+00 : f32
        %jit3A_196 = arith.constant 0.000000e+00 : f32
        %broadcast_in_dim3A_197 = vector.broadcast %jit3A_195 : f32 to vector<16xf32>
        %broadcast_in_dim3A_198 = vector.broadcast %jit3A_196 : f32 to vector<16xf32>
        %select_n3A_199 = arith.select %ne3A_188, %broadcast_in_dim3A_197, %broadcast_in_dim3A_198 : vector<16xi1>, vector<16xf32>
        %add3A_200 = arith.addf %scan3A_123, %select_n3A_199 : vector<16xf32>
        %get3A_201 = arith.constant 3 : i32
        %get3A_202 = arith.index_cast %get3A_201 : i32 to index
        %get3A_203 = arith.index_cast %mul3A_130 : i32 to index
        %get3A_204 = tpu.vector_load %arg6[%get3A_202, %get3A_203] {strides = array<i32>} : memref<8x2048xf32, #tpu.memory_space<vmem>>, vector<1x16xf32>,
        %get3A_205 = vector.shape_cast %get3A_204 : vector<1x16xf32> to vector<16xf32>
        %get3A_206 = arith.constant 3 : i32
        %get3A_207 = arith.index_cast %get3A_206 : i32 to index
        %get3A_208 = arith.index_cast %mul3A_130 : i32 to index
        %get3A_209 = tpu.vector_load %arg8[%get3A_207, %get3A_208] {strides = array<i32>} : memref<8x2048xf32, #tpu.memory_space<vmem>>, vector<1x16xf32>,
        %get3A_210 = vector.shape_cast %get3A_209 : vector<1x16xf32> to vector<16xf32>
        %ne3A_211 = arith.constant 0.000000e+00 : f32
        %ne3A_212 = vector.broadcast %ne3A_211 : f32 to vector<16xf32>
        %ne3A_213 = arith.cmpf one, %get3A_210, %ne3A_212 : vector<16xf32>
        %sub3A_214 = arith.subf %get3A_205, %get3A_210 : vector<16xf32>
        %jit3A_215 = arith.constant 0.000000e+00 : f32
        %broadcast_in_dim3A_216 = vector.broadcast %jit3A_215 : f32 to vector<16xf32>
        %select_n3A_217 = arith.select %ne3A_213, %sub3A_214, %broadcast_in_dim3A_216 : vector<16xi1>, vector<16xf32>
        %mul3A_218 = arith.mulf %select_n3A_217, %select_n3A_217 : vector<16xf32>
        %add3A_219 = arith.addf %scan3A_116, %mul3A_218 : vector<16xf32>
        %jit3A_220 = arith.constant 1.000000e+00 : f32
        %jit3A_221 = arith.constant 0.000000e+00 : f32
        %broadcast_in_dim3A_222 = vector.broadcast %jit3A_220 : f32 to vector<16xf32>
        %broadcast_in_dim3A_223 = vector.broadcast %jit3A_221 : f32 to vector<16xf32>
        %select_n3A_224 = arith.select %ne3A_213, %broadcast_in_dim3A_222, %broadcast_in_dim3A_223 : vector<16xi1>, vector<16xf32>
        %add3A_225 = arith.addf %scan3A_124, %select_n3A_224 : vector<16xf32>
        %get3A_226 = arith.constant 4 : i32
        %get3A_227 = arith.index_cast %get3A_226 : i32 to index
        %get3A_228 = arith.index_cast %mul3A_130 : i32 to index
        %get3A_229 = tpu.vector_load %arg6[%get3A_227, %get3A_228] {strides = array<i32>} : memref<8x2048xf32, #tpu.memory_space<vmem>>, vector<1x16xf32>,
        %get3A_230 = vector.shape_cast %get3A_229 : vector<1x16xf32> to vector<16xf32>
        %get3A_231 = arith.constant 4 : i32
        %get3A_232 = arith.index_cast %get3A_231 : i32 to index
        %get3A_233 = arith.index_cast %mul3A_130 : i32 to index
        %get3A_234 = tpu.vector_load %arg8[%get3A_232, %get3A_233] {strides = array<i32>} : memref<8x2048xf32, #tpu.memory_space<vmem>>, vector<1x16xf32>,
        %get3A_235 = vector.shape_cast %get3A_234 : vector<1x16xf32> to vector<16xf32>
        %ne3A_236 = arith.constant 0.000000e+00 : f32
        %ne3A_237 = vector.broadcast %ne3A_236 : f32 to vector<16xf32>
        %ne3A_238 = arith.cmpf one, %get3A_235, %ne3A_237 : vector<16xf32>
        %sub3A_239 = arith.subf %get3A_230, %get3A_235 : vector<16xf32>
        %jit3A_240 = arith.constant 0.000000e+00 : f32
        %broadcast_in_dim3A_241 = vector.broadcast %jit3A_240 : f32 to vector<16xf32>
        %select_n3A_242 = arith.select %ne3A_238, %sub3A_239, %broadcast_in_dim3A_241 : vector<16xi1>, vector<16xf32>
        %mul3A_243 = arith.mulf %select_n3A_242, %select_n3A_242 : vector<16xf32>
        %add3A_244 = arith.addf %scan3A_117, %mul3A_243 : vector<16xf32>
        %jit3A_245 = arith.constant 1.000000e+00 : f32
        %jit3A_246 = arith.constant 0.000000e+00 : f32
        %broadcast_in_dim3A_247 = vector.broadcast %jit3A_245 : f32 to vector<16xf32>
        %broadcast_in_dim3A_248 = vector.broadcast %jit3A_246 : f32 to vector<16xf32>
        %select_n3A_249 = arith.select %ne3A_238, %broadcast_in_dim3A_247, %broadcast_in_dim3A_248 : vector<16xi1>, vector<16xf32>
        %add3A_250 = arith.addf %scan3A_125, %select_n3A_249 : vector<16xf32>
        %get3A_251 = arith.constant 5 : i32
        %get3A_252 = arith.index_cast %get3A_251 : i32 to index
        %get3A_253 = arith.index_cast %mul3A_130 : i32 to index
        %get3A_254 = tpu.vector_load %arg6[%get3A_252, %get3A_253] {strides = array<i32>} : memref<8x2048xf32, #tpu.memory_space<vmem>>, vector<1x16xf32>,
        %get3A_255 = vector.shape_cast %get3A_254 : vector<1x16xf32> to vector<16xf32>
        %get3A_256 = arith.constant 5 : i32
        %get3A_257 = arith.index_cast %get3A_256 : i32 to index
        %get3A_258 = arith.index_cast %mul3A_130 : i32 to index
        %get3A_259 = tpu.vector_load %arg8[%get3A_257, %get3A_258] {strides = array<i32>} : memref<8x2048xf32, #tpu.memory_space<vmem>>, vector<1x16xf32>,
        %get3A_260 = vector.shape_cast %get3A_259 : vector<1x16xf32> to vector<16xf32>
        %ne3A_261 = arith.constant 0.000000e+00 : f32
        %ne3A_262 = vector.broadcast %ne3A_261 : f32 to vector<16xf32>
        %ne3A_263 = arith.cmpf one, %get3A_260, %ne3A_262 : vector<16xf32>
        %sub3A_264 = arith.subf %get3A_255, %get3A_260 : vector<16xf32>
        %jit3A_265 = arith.constant 0.000000e+00 : f32
        %broadcast_in_dim3A_266 = vector.broadcast %jit3A_265 : f32 to vector<16xf32>
        %select_n3A_267 = arith.select %ne3A_263, %sub3A_264, %broadcast_in_dim3A_266 : vector<16xi1>, vector<16xf32>
        %mul3A_268 = arith.mulf %select_n3A_267, %select_n3A_267 : vector<16xf32>
        %add3A_269 = arith.addf %scan3A_118, %mul3A_268 : vector<16xf32>
        %jit3A_270 = arith.constant 1.000000e+00 : f32
        %jit3A_271 = arith.constant 0.000000e+00 : f32
        %broadcast_in_dim3A_272 = vector.broadcast %jit3A_270 : f32 to vector<16xf32>
        %broadcast_in_dim3A_273 = vector.broadcast %jit3A_271 : f32 to vector<16xf32>
        %select_n3A_274 = arith.select %ne3A_263, %broadcast_in_dim3A_272, %broadcast_in_dim3A_273 : vector<16xi1>, vector<16xf32>
        %add3A_275 = arith.addf %scan3A_126, %select_n3A_274 : vector<16xf32>
        %get3A_276 = arith.constant 6 : i32
        %get3A_277 = arith.index_cast %get3A_276 : i32 to index
        %get3A_278 = arith.index_cast %mul3A_130 : i32 to index
        %get3A_279 = tpu.vector_load %arg6[%get3A_277, %get3A_278] {strides = array<i32>} : memref<8x2048xf32, #tpu.memory_space<vmem>>, vector<1x16xf32>,
        %get3A_280 = vector.shape_cast %get3A_279 : vector<1x16xf32> to vector<16xf32>
        %get3A_281 = arith.constant 6 : i32
        %get3A_282 = arith.index_cast %get3A_281 : i32 to index
        %get3A_283 = arith.index_cast %mul3A_130 : i32 to index
        %get3A_284 = tpu.vector_load %arg8[%get3A_282, %get3A_283] {strides = array<i32>} : memref<8x2048xf32, #tpu.memory_space<vmem>>, vector<1x16xf32>,
        %get3A_285 = vector.shape_cast %get3A_284 : vector<1x16xf32> to vector<16xf32>
        %ne3A_286 = arith.constant 0.000000e+00 : f32
        %ne3A_287 = vector.broadcast %ne3A_286 : f32 to vector<16xf32>
        %ne3A_288 = arith.cmpf one, %get3A_285, %ne3A_287 : vector<16xf32>
        %sub3A_289 = arith.subf %get3A_280, %get3A_285 : vector<16xf32>
        %jit3A_290 = arith.constant 0.000000e+00 : f32
        %broadcast_in_dim3A_291 = vector.broadcast %jit3A_290 : f32 to vector<16xf32>
        %select_n3A_292 = arith.select %ne3A_288, %sub3A_289, %broadcast_in_dim3A_291 : vector<16xi1>, vector<16xf32>
        %mul3A_293 = arith.mulf %select_n3A_292, %select_n3A_292 : vector<16xf32>
        %add3A_294 = arith.addf %scan3A_119, %mul3A_293 : vector<16xf32>
        %jit3A_295 = arith.constant 1.000000e+00 : f32
        %jit3A_296 = arith.constant 0.000000e+00 : f32
        %broadcast_in_dim3A_297 = vector.broadcast %jit3A_295 : f32 to vector<16xf32>
        %broadcast_in_dim3A_298 = vector.broadcast %jit3A_296 : f32 to vector<16xf32>
        %select_n3A_299 = arith.select %ne3A_288, %broadcast_in_dim3A_297, %broadcast_in_dim3A_298 : vector<16xi1>, vector<16xf32>
        %add3A_300 = arith.addf %scan3A_127, %select_n3A_299 : vector<16xf32>
        %get3A_301 = arith.constant 7 : i32
        %get3A_302 = arith.index_cast %get3A_301 : i32 to index
        %get3A_303 = arith.index_cast %mul3A_130 : i32 to index
        %get3A_304 = tpu.vector_load %arg6[%get3A_302, %get3A_303] {strides = array<i32>} : memref<8x2048xf32, #tpu.memory_space<vmem>>, vector<1x16xf32>,
        %get3A_305 = vector.shape_cast %get3A_304 : vector<1x16xf32> to vector<16xf32>
        %get3A_306 = arith.constant 7 : i32
        %get3A_307 = arith.index_cast %get3A_306 : i32 to index
        %get3A_308 = arith.index_cast %mul3A_130 : i32 to index
        %get3A_309 = tpu.vector_load %arg8[%get3A_307, %get3A_308] {strides = array<i32>} : memref<8x2048xf32, #tpu.memory_space<vmem>>, vector<1x16xf32>,
        %get3A_310 = vector.shape_cast %get3A_309 : vector<1x16xf32> to vector<16xf32>
        %ne3A_311 = arith.constant 0.000000e+00 : f32
        %ne3A_312 = vector.broadcast %ne3A_311 : f32 to vector<16xf32>
        %ne3A_313 = arith.cmpf one, %get3A_310, %ne3A_312 : vector<16xf32>
        %sub3A_314 = arith.subf %get3A_305, %get3A_310 : vector<16xf32>
        %jit3A_315 = arith.constant 0.000000e+00 : f32
        %broadcast_in_dim3A_316 = vector.broadcast %jit3A_315 : f32 to vector<16xf32>
        %select_n3A_317 = arith.select %ne3A_313, %sub3A_314, %broadcast_in_dim3A_316 : vector<16xi1>, vector<16xf32>
        %mul3A_318 = arith.mulf %select_n3A_317, %select_n3A_317 : vector<16xf32>
        %add3A_319 = arith.addf %scan3A_120, %mul3A_318 : vector<16xf32>
        %jit3A_320 = arith.constant 1.000000e+00 : f32
        %jit3A_321 = arith.constant 0.000000e+00 : f32
        %broadcast_in_dim3A_322 = vector.broadcast %jit3A_320 : f32 to vector<16xf32>
        %broadcast_in_dim3A_323 = vector.broadcast %jit3A_321 : f32 to vector<16xf32>
        %select_n3A_324 = arith.select %ne3A_313, %broadcast_in_dim3A_322, %broadcast_in_dim3A_323 : vector<16xi1>, vector<16xf32>
        %add3A_325 = arith.addf %scan3A_128, %select_n3A_324 : vector<16xf32>
        scf.yield %add3A_144, %add3A_169, %add3A_194, %add3A_219, %add3A_244, %add3A_269, %add3A_294, %add3A_319, %add3A_150, %add3A_175, %add3A_200, %add3A_225, %add3A_250, %add3A_275, %add3A_300, %add3A_325 : vector<16xf32>, vector<16xf32>, vector<16xf32>, vector<16xf32>, vector<16xf32>, vector<16xf32>, vector<16xf32>, vector<16xf32>, vector<16xf32>, vector<16xf32>, vector<16xf32>, vector<16xf32>, vector<16xf32>, vector<16xf32>, vector<16xf32>, vector<16xf32>
      }
      %scan3A_111 = arith.constant 128 : i32
      scf.yield %scan3A_110#0, %scan3A_110#1, %scan3A_110#2, %scan3A_110#3, %scan3A_110#4, %scan3A_110#5, %scan3A_110#6, %scan3A_110#7, %scan3A_110#8, %scan3A_110#9, %scan3A_110#10, %scan3A_110#11, %scan3A_110#12, %scan3A_110#13, %scan3A_110#14, %scan3A_110#15 : vector<16xf32>, vector<16xf32>, vector<16xf32>, vector<16xf32>, vector<16xf32>, vector<16xf32>, vector<16xf32>, vector<16xf32>, vector<16xf32>, vector<16xf32>, vector<16xf32>, vector<16xf32>, vector<16xf32>, vector<16xf32>, vector<16xf32>, vector<16xf32>
    }
    %scan3A_19 = arith.constant 4 : i32
    %add3A_20 = arith.addf %scan3A_18#0, %scan3A_18#1 : vector<16xf32>
    %add3A_21 = arith.addf %scan3A_18#8, %scan3A_18#9 : vector<16xf32>
    %add3A_22 = arith.addf %add3A_20, %scan3A_18#2 : vector<16xf32>
    %add3A_23 = arith.addf %add3A_21, %scan3A_18#10 : vector<16xf32>
    %add3A_24 = arith.addf %add3A_22, %scan3A_18#3 : vector<16xf32>
    %add3A_25 = arith.addf %add3A_23, %scan3A_18#11 : vector<16xf32>
    %add3A_26 = arith.addf %add3A_24, %scan3A_18#4 : vector<16xf32>
    %add3A_27 = arith.addf %add3A_25, %scan3A_18#12 : vector<16xf32>
    %add3A_28 = arith.addf %add3A_26, %scan3A_18#5 : vector<16xf32>
    %add3A_29 = arith.addf %add3A_27, %scan3A_18#13 : vector<16xf32>
    %add3A_30 = arith.addf %add3A_28, %scan3A_18#6 : vector<16xf32>
    %add3A_31 = arith.addf %add3A_29, %scan3A_18#14 : vector<16xf32>
    %add3A_32 = arith.addf %add3A_30, %scan3A_18#7 : vector<16xf32>
    %add3A_33 = arith.addf %add3A_31, %scan3A_18#15 : vector<16xf32>
    %swap3A = arith.constant 0 : i32
    %swap3A_34 = arith.index_cast %swap3A : i32 to index
    %swap3A_35 = arith.constant 0 : index
    %swap3A_36 = tpu.vector_load %arg9[%swap3A_34, %swap3A_35] {strides = array<i32>} : memref<8x128xf32, #tpu.memory_space<vmem>>, vector<1x16xf32>,
    %swap3A_37 = vector.shape_cast %swap3A_36 : vector<1x16xf32> to vector<16xf32>
    %swap3A_38 = vector.shape_cast %add3A_32 : vector<16xf32> to vector<1x16xf32>
    tpu.vector_store %arg9[%swap3A_34, %swap3A_35], %swap3A_38 {strides = array<i32>} : memref<8x128xf32, #tpu.memory_space<vmem>>, vector<1x16xf32>,
    %swap3A_39 = arith.constant 1 : i32
    %swap3A_40 = arith.index_cast %swap3A_39 : i32 to index
    %swap3A_41 = arith.constant 0 : index
    %swap3A_42 = tpu.vector_load %arg9[%swap3A_40, %swap3A_41] {strides = array<i32>} : memref<8x128xf32, #tpu.memory_space<vmem>>, vector<1x16xf32>,
    %swap3A_43 = vector.shape_cast %swap3A_42 : vector<1x16xf32> to vector<16xf32>
    %swap3A_44 = vector.shape_cast %add3A_33 : vector<16xf32> to vector<1x16xf32>
    tpu.vector_store %arg9[%swap3A_40, %swap3A_41], %swap3A_44 {strides = array<i32>} : memref<8x128xf32, #tpu.memory_space<vmem>>, vector<1x16xf32>,
    "tpu.region"() ({
      %run_scoped3A = tpu.sem_alloc : memref<!tpu.dma_semaphore, #tpu.memory_space<semaphore_mem>>
      %dma_start3A_45 = arith.constant 0 : i32
      %dma_start3A_46 = arith.constant 0 : i32
      %dma_start3A_47 = tpu.memref_slice %arg4[%add3A, %dma_start3A_45, %dma_start3A_46] : memref<32x8x128xf32, #tpu.memory_space<hbm>> -> memref<1x8x128xf32, #tpu.memory_space<hbm>>
      %dma_start3A_48 = tpu.memref_squeeze %dma_start3A_47 : memref<1x8x128xf32, #tpu.memory_space<hbm>> -> memref<8x128xf32, #tpu.memory_space<hbm>>
      %dma_start3A_49 = arith.constant 0 : i32
      %dma_start3A_50 = arith.constant 0 : i32
      %dma_start3A_51 = tpu.memref_slice %arg4[%add3A, %dma_start3A_49, %dma_start3A_50] : memref<32x8x128xf32, #tpu.memory_space<hbm>> -> memref<1x8x128xf32, #tpu.memory_space<hbm>>
      %dma_start3A_52 = tpu.memref_squeeze %dma_start3A_51 : memref<1x8x128xf32, #tpu.memory_space<hbm>> -> memref<8x128xf32, #tpu.memory_space<hbm>>
      tpu.enqueue_dma source(%arg9 : memref<8x128xf32, #tpu.memory_space<vmem>>) target(%dma_start3A_52 : memref<8x128xf32, #tpu.memory_space<hbm>>) target_semaphore(%run_scoped3A : memref<!tpu.dma_semaphore, #tpu.memory_space<semaphore_mem>>)
      %dma_wait3A = arith.constant 0 : i32
      %dma_wait3A_53 = arith.constant 0 : i32
      %dma_wait3A_54 = tpu.memref_slice %arg4[%add3A, %dma_wait3A, %dma_wait3A_53] : memref<32x8x128xf32, #tpu.memory_space<hbm>> -> memref<1x8x128xf32, #tpu.memory_space<hbm>>
      %dma_wait3A_55 = tpu.memref_squeeze %dma_wait3A_54 : memref<1x8x128xf32, #tpu.memory_space<hbm>> -> memref<8x128xf32, #tpu.memory_space<hbm>>
      %dma_wait3A_56 = arith.constant 0 : i32
      %dma_wait3A_57 = arith.constant 0 : i32
      %dma_wait3A_58 = tpu.memref_slice %arg4[%add3A, %dma_wait3A_56, %dma_wait3A_57] : memref<32x8x128xf32, #tpu.memory_space<hbm>> -> memref<1x8x128xf32, #tpu.memory_space<hbm>>
      %dma_wait3A_59 = tpu.memref_squeeze %dma_wait3A_58 : memref<1x8x128xf32, #tpu.memory_space<hbm>> -> memref<8x128xf32, #tpu.memory_space<hbm>>
      tpu.wait_dma2 semaphore(%run_scoped3A : memref<!tpu.dma_semaphore, #tpu.memory_space<semaphore_mem>>) src(%arg9 : memref<8x128xf32, #tpu.memory_space<vmem>>) dst(%dma_wait3A_59 : memref<8x128xf32, #tpu.memory_space<hbm>>)
      tpu.yield
    }) : () -> ()
    return
  }
}

</mosaic_0001>

<sc_bundles>
// kernel: kernel.3.cloned.1.call-start
scs
__scs_entry_jumppad:
0x0: {  	(pc) =	sbr.rel $0x88, $3  }
0x1: {  	(tag) =	ssettag $0x0;
	lr =	simm.s32 $0x1  }
0x2: {  	[smem:$0x3F9F] =	sst lr;
	_ =	strace $0xD0000000  }
0x3: {  	_ = 	snop  }
0x4: {  	_ = 	snop  }
0x5: {  	_ = 	snop  }
0x6: {  	_ = 	snop  }
0x7: {  	_ = 	snop  }
__scs_overlays_trampoline_lowered:
0x8: {  	[smem:$0x3FAE] =	sst s0  }
0x9: {  	[smem:$0x3FAF] =	sst s1  }
0xa: {  	[smem:$0x3FB0] =	sst s2  }
0xb: {  	[smem:$0x3FB1] =	sst s3  }
0xc: {  	[smem:$0x3FB2] =	sst s4  }
0xd: {  	[smem:$0x3FB3] =	sst s5  }
0xe: {  	[smem:$0x3FB4] =	sst s6  }
0xf: {  	[smem:$0x3FB5] =	sst s7  }
0x10: {  	[smem:$0x3FB6] =	sst s8  }
0x11: {  	[smem:$0x3FB7] =	sst s9;
	s0 =	simm.s32 @!p0 $0x0  }
0x12: {  	s1 =	sld [smem:$0x3F9D];
	s0 =	simm.s32 @p0 $0x1  }
0x13: {  	[smem:$0x3FB8] =	sst s0;
	s0 =	simm.s32 @!p1 $0x0  }
0x14: {  	s2 =	sld [smem:$0x3F9C];
	s0 =	simm.s32 @p1 $0x1  }
0x15: {  	[smem:$0x3FB9] =	sst s0;
	s0 =	simm.s32 @!p2 $0x0  }
0x16: {  	s3 =	sld [smem:$0x3FDB];
	s0 =	simm.s32 @p2 $0x1  }
0x17: {  	s4 =	simm.s32 $0x1BF5;
	[smem:$0x3FBB] =	sst s0  }
0x18: {  	s0 =	sld [smem:$0x3F9E];
	_ =	swait.ge [sflag:s4], $0x0  }
0x19: {  	s7 =	sld [smem:$0x3F9F]  }
0x1a: {  	s8 =	sadd.s32 $0xFFFFE003, lr  }
0x1b: {  	s9 =	sadd.s32 $0xFFFFFEF7, lr;
	s5 =	simm.s32 $0xFFFFFFFF;
	p2 =	slt.u32 s8, $0xFFFFF086  }
0x1c: {  	p1 =	slt.u32 s9, $0xF7A;
	s5 =	simm.s32 @!p2 $0x0  }
0x1d: {  	s5 =	simm.s32 @p1 $0x1;
	p0 =	seq.s32 s7, s2  }
0x1e: {  	s7 =	smul.u32 @!p0 $0xF7A, s2;
	p2 =	seq.s32 @!p0 s5, $0x0  }
0x1f: {  	s9 =	smul.u32 $0xF7A, s1;
	s8 =	simm.s32 @!p0 $0x1BF5;
	p2 =	por !p2, p0  }
0x20: {  	[sflag:s8] =	ssyncset.s32 @!p0 $0xFFFFF086;
	s6 =	sadd.s32 @!p0 s3, s7;
	s7 =	simm.s32 @!p0 $0x108  }
0x21: {  	s3 =	sadd.s32 s3, s9;
	s6 =	sadd.s32 @!p0 $0x88, s6;
	s7 =	simm.s32 @p2 $0x1082  }
0x22: {  	[simem:s7], [sflag:s8] =	dma.local @!p0 [hbm:s6], $0xF7A  }
0x23: {  	s9 =	sor.u32 $0xD0000000, s2;
	s6 =	simm.s32 $0x108;
	_ =	swait.ge @!p0 [sflag:s8], $0x0  }
0x24: {  	s3 =	sadd.s32 $0x88, s3;
	s6 =	simm.s32 @!p1 $0x1082;
	[sflag:s4] =	ssyncset.s32 $0xFFFFF086  }
0x25: {  	[simem:s6], [sflag:s4] =	dma.local [hbm:s3], $0xF7A  }
0x26: {  	[smem:$0x3F9F] =	sst s1;
	(tag) =	ssettag s2;
	_ =	strace s9  }
0x27: {  	s1 =	sld [smem:$0x3FAF]  }
0x28: {  	s2 =	sld [smem:$0x3FB0]  }
0x29: {  	s4 =	sld [smem:$0x3FB2]  }
0x2a: {  	p0 =	seq.s32 s5, $0x0;
	s5 =	sld [smem:$0x3FB3]  }
0x2b: {  	s6 =	sld [smem:$0x3FB4]  }
0x2c: {  	s7 =	sld [smem:$0x3FB5]  }
0x2d: {  	s3 =	simm.s32 $0x108;
	s8 =	sld [smem:$0x3FB6]  }
0x2e: {  	s3 =	simm.s32 @!p0 $0x1082;
	s9 =	sld [smem:$0x3FB7]  }
0x2f: {  	lr =	sadd.s32 s0, s3;
	s0 =	sld [smem:$0x3FAE]  }
0x30: {  	s3 =	sld [smem:$0x3FB1]  }
0x31: {  	[smem:$0x3FBA] =	sst s10  }
0x32: {  	s10 =	sld [smem:$0x3FB8];
	_ =	sdelay $0x3  }
0x33: {  	p0 =	seq.s32 s10, $0x1;
	s10 =	sld [smem:$0x3FBA];
	_ =	sdelay $0x3  }
0x34: {  	[smem:$0x3FBA] =	sst s10  }
0x35: {  	s10 =	sld [smem:$0x3FB9];
	_ =	sdelay $0x3  }
0x36: {  	p1 =	seq.s32 s10, $0x1;
	s10 =	sld [smem:$0x3FBA];
	_ =	sdelay $0x3  }
0x37: {  	[smem:$0x3FBA] =	sst s10  }
0x38: {  	s10 =	sld [smem:$0x3FBB]  }
0x39: {  	_ = 	snop;
	(pc) =	sbr.ind lr, $3  }
0x3a: {  	_ = 	snop  }
0x3b: {  	_ = 	snop  }
0x3c: {  	p2 =	seq.s32 s10, $0x1;
	s10 =	sld [smem:$0x3FBA]  }
0x3d: {  	_ =	shalt  }
0x3e: {  	_ =	shalt  }
0x3f: {  	_ =	shalt  }
0x40: {  	_ =	shalt  }
0x41: {  	_ =	shalt  }
0x42: {  	_ =	shalt  }
0x43: {  	_ =	shalt  }
0x44: {  	_ =	shalt  }
0x45: {  	_ =	shalt  }
0x46: {  	_ =	shalt  }
0x47: {  	_ =	shalt  }
0x48: {  	_ =	shalt  }
0x49: {  	_ =	shalt  }
0x4a: {  	_ =	shalt  }
0x4b: {  	_ =	shalt  }
0x4c: {  	_ =	shalt  }
0x4d: {  	_ =	shalt  }
0x4e: {  	_ =	shalt  }
0x4f: {  	_ =	shalt  }
0x50: {  	_ =	shalt  }
0x51: {  	_ =	shalt  }
0x52: {  	_ =	shalt  }
0x53: {  	_ =	shalt  }
0x54: {  	_ =	shalt  }
0x55: {  	_ =	shalt  }
0x56: {  	_ =	shalt  }
0x57: {  	_ =	shalt  }
0x58: {  	_ =	shalt  }
0x59: {  	_ =	shalt  }
0x5a: {  	_ =	shalt  }
0x5b: {  	_ =	shalt  }
0x5c: {  	_ =	shalt  }
0x5d: {  	_ =	shalt  }
0x5e: {  	_ =	shalt  }
0x5f: {  	_ =	shalt  }
0x60: {  	_ =	shalt  }
0x61: {  	_ =	shalt  }
0x62: {  	_ =	shalt  }
0x63: {  	_ =	shalt  }
0x64: {  	_ =	shalt  }
0x65: {  	_ =	shalt  }
0x66: {  	_ =	shalt  }
0x67: {  	_ =	shalt  }
0x68: {  	_ =	shalt  }
0x69: {  	_ =	shalt  }
0x6a: {  	_ =	shalt  }
0x6b: {  	_ =	shalt  }
0x6c: {  	_ =	shalt  }
0x6d: {  	_ =	shalt  }
0x6e: {  	_ =	shalt  }
0x6f: {  	_ =	shalt  }
0x70: {  	_ =	shalt  }
0x71: {  	_ =	shalt  }
0x72: {  	_ =	shalt  }
0x73: {  	_ =	shalt  }
0x74: {  	_ =	shalt  }
0x75: {  	_ =	shalt  }
0x76: {  	_ =	shalt  }
0x77: {  	_ =	shalt  }
0x78: {  	_ =	shalt  }
0x79: {  	_ =	shalt  }
0x7a: {  	_ =	shalt  }
0x7b: {  	_ =	shalt  }
0x7c: {  	_ =	shalt  }
0x7d: {  	_ =	shalt  }
0x7e: {  	_ =	shalt  }
0x7f: {  	_ =	shalt  }
0x80: {  	_ =	shalt  }
0x81: {  	_ =	shalt  }
0x82: {  	_ =	shalt  }
0x83: {  	_ =	shalt  }
0x84: {  	_ =	shalt  }
0x85: {  	_ =	shalt  }
0x86: {  	_ =	shalt  }
0x87: {  	_ =	shalt  }
.Lfunc_end0:
.L_simem_size_0:
called_computation_lowered:
.L_overlay_start_0:
0x88: {  	s2 =	sld [smem:$0x3FD9]  }
0x89: {  	s3 =	sld [smem:$0x3FFE];
	_ =	sdelay $0x1  }
0x8a: {  	s1 =	srdreg.scid  }
0x8b: {  	s0 =	sand.u32 $0x1, s1  }
0x8c: {  	s17 =	sshll.u32 s0, $0xA;
	s2 =	sadd.s32 s3, s2  }
0x8d: {  	s2 =	sadd.s32 s2, s17  }
0x8e: {  	[smem:$0x3FC6] =	sst s2  }
0x8f: {  	_ = 	snop  }
0x90: {  	s2 =	sld [smem:$0x3FC9]  }
0x91: {  	s18 =	sld [smem:$0x3FC8];
	(tm) =	ssettm $0x1  }
0x92: {  	s4 =	sld [smem:$0x3FFB];
	_ =	sdelay $0x3  }
0x93: {  	_ =	strace s4  }
0x94: {  	s4 =	sld [smem:$0x3FFC];
	_ =	sdelay $0x3  }
0x95: {  	_ =	strace s4  }
0x96: {  	s4 =	sld [smem:$0x3FFD];
	_ =	sdelay $0x3  }
0x97: {  	_ =	strace s4  }
0x98: {  	_ =	strace $0x8FFFFFFF  }
0x99: {  	s19 =	sld [smem:$0x3FDB];
	_ =	sdelay $0x1  }
0x9a: {  	s5 =	simm.s32 $_scs_section_size  }
0x9b: {  	s6 =	simm.s32 $_size__tile_overlayer_lowered;
	s7 =	simm.s32 $_tile_overlayer_lowered  }
0x9c: {  	s22 =	simm.s32 $0x1BFF;
	s21 =	sshll.u32 s7, $0x1;
	s4 =	sadd.s32 s5, s19  }
0x9d: {  	s8 =	simm.s32 $0x0;
	s20 =	sshll.u32 s6, $0x1;
	s6 =	sadd.s32 s21, s4  }
0x9e: {  	[timem:s8], [sflag:s22] =	dma.local [hbm:s6], s20  }
0x9f: {  	_ =	swait.ge [sflag:s22], s20  }
0xa0: {  	s5 =	ssub.s32 $0x0, s20;
	[sflag:s22] =	ssyncset.done $0x0  }
0xa1: {  	[sflag:s22] =	ssyncadd.s32 s5;
	_ =	sdelay $0x1  }
0xa2: {  	s23 =	simm.s32 $0x1B8B  }
0xa3: {  	_ =	swait.ge [sflag:s23], $0x1  }
0xa4: {  	[sflag:s23] =	ssyncset.done $0x0  }
0xa5: {  	s25 =	simm.s32 $0x1B8E;
	s24 =	sld [smem:$0x3FFE];
	[sflag:s23] =	ssyncadd.s32 $0xFFFFFFFF  }
0xa6: {  	s26 =	simm.s32 $execute0_lowered;
	[smem:$0x3FD2] =	sst s25  }
0xa7: {  	s6 =	sshll.u32 s26, $0x1;
	_ =	strace $0x80000046;
	[dreg:$0x1] =	wrdreg $0xFFFFFFFF  }
0xa8: {  	s28 =	simm.s32 $_size_execute0_lowered;
	s4 =	sadd.s32 s4, s6;
	[dreg:$0x0] =	wrdreg $0x0  }
0xa9: {  	s6 =	sshll.u32 s28, $0x1;
	[dreg:$0x2] =	wrdreg s4  }
0xaa: {  	[dreg:$0x3] =	wrdreg s6  }
0xab: {  	[dreg:$0x4] =	wrdreg $0xC0  }
0xac: {  	_ =	task [dreg:s8], $0x5FFFF  }
0xad: {  	[dreg:$0x1] =	wrdreg $0xFFFFFFFF  }
0xae: {  	[dreg:$0x0] =	wrdreg $0x60  }
0xaf: {  	[dreg:$0x2] =	wrdreg s2  }
0xb0: {  	[dreg:$0x3] =	wrdreg s18  }
0xb1: {  	[dreg:$0x4] =	wrdreg s24  }
0xb2: {  	[dreg:$0x5] =	wrdreg $0x9  }
0xb3: {  	_ =	task.clear_ibuf [dreg:s8], $0x6FFFF;
	_ =	strace $0x90000046  }
0xb4: {  	s29 =	simm.s32 $0x9;
	_ =	strace $0x80000048  }
0xb5: {  	_ =	swait.ge [sflag:s29], $0x1  }
0xb6: {  	[sflag:s29] =	ssyncadd.s32 $0xFFFFFFFF  }
0xb7: {  	_ =	strace $0x90000048  }
0xb8: {  	_ =	sfence  }
0xb9: {  	s30 =	sld [smem:$0x0];
	_ =	sdelay $0x2  }
0xba: {  	s31 =	sshll.u32 s1, $0xD;
	s1 =	sshrl.u32 s1, $0x2  }
0xbb: {  	s3 =	sand.u32 $0x4000, s31;
	s1 =	sadd.s32 s1, s30  }
0xbc: {  	s0 =	sor.u32 s3, s0;
	s1 =	sshll.u32 s1, $0x11  }
0xbd: {  	s0 =	sor.u32 s1, s0  }
0xbe: {  	s0 =	sadd.s32 $0x8F2B, s0  }
0xbf: {  	[sflag:s0] =	ssyncadd.remote.s32 $0x1  }
0xc0: {  	_ =	sfence.sel $0xFFFF  }
0xc1: {  	[dreg:$0x0] =	wrdreg $0xFFFFFFFF;
	(pc) =	sbr.abs _section_cstart, $3  }
0xc2: {  	[dreg:$0x1] =	wrdreg $0xFFFFFFFF  }
0xc3: {  	_ =	task.clear_ibuf [dreg:s8], $0x2FFFF;
	_ =	strace $0x9FFFFFFF  }
0xc4: {  	(tm) =	ssettm $0x7FFFFFFF  }
0xc5: {  	_ =	shalt  }
tec
execute0_lowered:
.L_overlay_start_1:
0x0: {  	(tag) =	ssettag $0x1  }
0x1: {  	s1 =	rddreg [dreg:$0x0]  }
0x2: {  	s2 =	srdreg.scid;
	s3 =	rddreg [dreg:$0x1]  }
0x3: {  	s0 =	stileid.u32;
	s9 =	rddreg [dreg:$0x2]  }
0x4: {  	s4 =	simm.s32 $0x0;
	s12 =	simm.s32 $0x4000;
	s13 =	simm.s32 $0xC000  }
0x5: {  	s14 =	simm.s32 $0x1;
	s15 =	simm.s32 $0x3;
	s16 =	simm.s32 $0x2  }
0x6: {  	s17 =	simm.s32 $0x4;
	s18 =	simm.s32 $0x10000;
	s19 =	simm.s32 $0x5  }
0x7: {  	s5 =	sand.u32 $0x1, s2;
	s31 =	sshll.u32 s0, $0x1;
	s2 =	rddreg [dreg:$0x3]  }
0x8: {  	s20 =	simm.s32 $0x0;
	[smem:$0x7FF] =	sst s4;
	s10 =	sor.u32 s5, s31  }
0x9: {  	s5 =	ssub.s32 $0x2, s5;
	_ =	strace $0x80000047;
	s6 =	sshll.u32 s10, $0x6  }
0xa: {  	s7 =	sshrl.u32 s5, $0x1;
	s10 =	sshll.u32 s10, $0x7;
	s6 =	sor.u32 $0x3800, s6  }
0xb: {  	s11 =	ssub.s32 s5, s7;
	s9 =	sadd.s32 s9, s10;
	s8 =	sshll.u32 s6, $0x8  }
0xc: {  	s6 =	sshrl.u32 s6, $0x3;
	s10 =	smax.u32 s11, $0x1;
	s11 =	simm.s32 $0x8000  }
0xd: {  	v0 =	vimm.f32 $0.0e+00;
	s5 =	sadd.s32 s1, s8;
	s7 =	sadd.s32 s3, s8;
	s8 =	sor.u32 $0x2, s6  }
.LBB2_1:
0xe: {  	v1 =	vimm.f32 $0.0e+00  }
0xf: {  	v9 =	vimm.f32 $0.0e+00;
	v2 =	vimm.f32 $0.0e+00;
	v4 =	vimm.f32 $0.0e+00  }
0x10: {  	v13 =	vimm.f32 $0.0e+00;
	v7 =	vimm.f32 $0.0e+00;
	v10 =	vimm.f32 $0.0e+00  }
0x11: {  	[tilespmem:s4], [sflag:$0x1] =	stream.linear.gather [hbm4b:s5+s4], $0x4000, $0x38;
	v8 =	vimm.f32 $0.0e+00;
	v3 =	vimm.f32 $0.0e+00;
	v14 =	vimm.f32 $0.0e+00;
	[tilespmem:$0x10400] =	vst v63  }
0x12: {  	v6 =	vimm.f32 $0.0e+00;
	v5 =	vimm.f32 $0.0e+00;
	v16 =	vimm.f32 $0.0e+00;
	s21 =	simm.s32 $0x0  }
0x13: {  	v12 =	vimm.f32 $0.0e+00;
	v15 =	vimm.f32 $0.0e+00;
	v11 =	vimm.f32 $0.0e+00;
	[tilespmem:s11], [sflag:$0x3] =	stream.linear.gather [hbm4b:s7+s4], $0x4000, $0x38;
	[tilespmem:$0x10400] =	vst v63  }
.LBB2_2:
0x14: {  	s22 =	sshll.u32 s21, $0x1  }
0x15: {  	s23 =	sadd.s32 s22, s6  }
0x16: {  	s23 =	sshll.u32 s23, $0xB  }
0x17: {  	s23 =	sadd.s32 $0x800, s23  }
0x18: {  	s25 =	simm.s32 $0x0;
	s24 =	sadd.s32 s1, s23  }
0x19: {  	[tilespmem:s12], [sflag:$0x2] =	stream.linear.gather [hbm4b:s24+s25], $0x4000, $0x38;
	[tilespmem:$0x10400] =	vst v63  }
0x1a: {  	s23 =	sadd.s32 s3, s23  }
0x1b: {  	[tilespmem:s13], [sflag:$0x4] =	stream.linear.gather [hbm4b:s23+s25], $0x4000, $0x38;
	[tilespmem:$0x10400] =	vst v63  }
0x1c: {  	_ =	swait.ge [sflag:s14], $0x4000  }
0x1d: {  	[sflag:s14] =	ssyncset.done $0x0  }
0x1e: {  	[sflag:s14] =	ssyncadd.s32 $0xFFFFC000  }
0x1f: {  	_ =	swait.ge [sflag:s15], $0x4000  }
0x20: {  	s29 =	sand.u32 $0x70, s25;
	s30 =	sand.u32 $0x3C00, s25;
	[sflag:s15] =	ssyncset.done $0x0  }
0x21: {  	s23 =	sor.u32 s29, s30;
	[sflag:s15] =	ssyncadd.s32 $0xFFFFC000  }
0x22: {  	v17 =	vld [tilespmem:s23+$0x8300]  }
0x23: {  	v18 =	vld [tilespmem:s23+$0x180]  }
0x24: {  	v19 =	vld [tilespmem:s23+$0x300]  }
0x25: {  	v20 =	vld [tilespmem:s23+$0x8280]  }
0x26: {  	v21 =	vld [tilespmem:s23+$0x8180]  }
0x27: {  	v25 =	vld [tilespmem:s23+$0x8200]  }
0x28: {  	v26 =	vld [tilespmem:s23+$0x8100]  }
0x29: {  	v22 =	vld [tilespmem:s23+$0x280]  }
0x2a: {  	vm0 =	vlt.f32 v17, $0.0e+00;
	vm1 =	vgt.f32 v17, $0.0e+00  }
0x2b: {  	v23 =	vld [tilespmem:s23+$0x8000];
	v17 =	vsub.f32 v19, v17;
	vm2 =	vgt.f32 v20, $0.0e+00;
	vm3 =	vlt.f32 v21, $0.0e+00  }
0x2c: {  	v24 =	vld [tilespmem:s23+$0x200];
	vm4 =	vgt.f32 v21, $0.0e+00;
	v18 =	vsub.f32 v18, v21;
	vm5 =	vlt.f32 v25, $0.0e+00  }
0x2d: {  	vm6 =	vgt.f32 v25, $0.0e+00;
	vm7 =	vgt.f32 v26, $0.0e+00;
	vm1 =	vmor vm1, vm0  }
0x2e: {  	v27 =	vld [tilespmem:s23+$0x100];
	vm0 =	vlt.f32 v20, $0.0e+00;
	v20 =	vsub.f32 v22, v20;
	v19 =	vsel vm1, $0x3F800000, v0  }
0x2f: {  	vm0 =	vmor vm2, vm0;
	vm2 =	vmor vm4, vm3;
	v9 =	vadd.f32 v19, v9;
	v19 =	vld [tilespmem:s23+$0x8080]  }
0x30: {  	v21 =	vld [tilespmem:s23+$0x80];
	vm3 =	vlt.f32 v23, $0.0e+00;
	v22 =	vnsel vm1, $0x0, v17;
	v17 =	vnsel vm2, $0x0, v18  }
0x31: {  	v18 =	vsel vm2, $0x3F800000, v0;
	v28 =	vmul.f32 v17, v17;
	v17 =	vsub.f32 v24, v25;
	v24 =	vld [tilespmem:s23+$0x0]  }
0x32: {  	s31 =	sand.u32 $0x7, s25;
	vm4 =	vgt.f32 v23, $0.0e+00;
	v13 =	vadd.f32 v18, v13;
	v18 =	vmul.f32 v22, v22  }
0x33: {  	v20 =	vnsel vm0, $0x0, v20;
	s23 =	sshll.u32 s31, $0x4;
	v25 =	vsub.f32 v27, v26;
	v16 =	vadd.f32 v28, v16  }
0x34: {  	s23 =	sadd.s32 $0x0, s23;
	v14 =	vadd.f32 v18, v14;
	vm1 =	vlt.f32 v19, $0.0e+00;
	vm2 =	vgt.f32 v19, $0.0e+00  }
0x35: {  	s23 =	sor.u32 $0x380, s23;
	v21 =	vsub.f32 v21, v19;
	v19 =	vmul.f32 v20, v20;
	vm2 =	vmor vm2, vm1  }
0x36: {  	v18 =	vld [tilespmem:s23+$0x8000];
	vm1 =	vmor vm4, vm3;
	vm3 =	vlt.f32 v26, $0.0e+00;
	v20 =	vsub.f32 v24, v23  }
0x37: {  	v22 =	vsel vm2, $0x3F800000, v0;
	v23 =	vnsel vm2, $0x0, v21;
	vm3 =	vmor vm7, vm3;
	v21 =	vld [tilespmem:s23+$0x0]  }
0x38: {  	s26 =	simm.s32 $0x10;
	s24 =	simm.s32 $0x1;
	vm2 =	vmor vm6, vm5;
	s23 =	simm.s32 $0x80;
	v23 =	vmul.f32 v23, v23;
	v24 =	vnsel vm3, $0x0, v25  }
.LBB2_3:
0x39: {  	s25 =	sand.u32 $0x7, s24  }
0x3a: {  	s28 =	sand.u32 $0x70, s26;
	s29 =	sand.u32 $0x3C00, s23;
	v10 =	vadd.f32 v22, v10;
	v22 =	vmul.f32 v24, v24;
	v24 =	vsel vm2, $0x3F800000, v0;
	s30 =	smov.u32 s26  }
0x3b: {  	s30 =	sshll.u32 s25, $0x4;
	s28 =	sor.u32 s28, s29;
	s25 =	sadd.s32 $0x10, s26;
	v15 =	vadd.f32 v23, v15;
	v23 =	vsel vm3, $0x3F800000, v0;
	vm3 =	vgt.f32 v18, $0.0e+00  }
0x3c: {  	p0 =	sne.s32 s26, $0x7F0;
	vm4 =	vlt.f32 v18, $0.0e+00;
	s29 =	sadd.s32 s30, s23;
	v25 =	vld [tilespmem:s28+$0x8300];
	v12 =	vadd.f32 v22, v12;
	v18 =	vsub.f32 v21, v18  }
0x3d: {  	v20 =	vnsel vm1, $0x0, v20;
	v7 =	vadd.f32 v23, v7;
	vm3 =	vmor vm3, vm4;
	v21 =	vld [tilespmem:s28+$0x180];
	s26 =	sor.u32 $0x380, s29  }
0x3e: {  	v17 =	vnsel vm2, $0x0, v17;
	v20 =	vmul.f32 v20, v20;
	v23 =	vsel vm0, $0x3F800000, v0;
	v22 =	vld [tilespmem:s28+$0x280]  }
0x3f: {  	v27 =	vsel vm1, $0x3F800000, v0;
	v17 =	vmul.f32 v17, v17;
	v2 =	vadd.f32 v23, v2;
	v26 =	vld [tilespmem:s28+$0x300]  }
0x40: {  	v6 =	vadd.f32 v19, v6;
	v4 =	vadd.f32 v24, v4;
	v18 =	vnsel vm3, $0x0, v18;
	v23 =	vld [tilespmem:s28+$0x8280]  }
0x41: {  	v8 =	vadd.f32 v27, v8;
	v11 =	vadd.f32 v20, v11;
	v18 =	vmul.f32 v18, v18;
	v19 =	vld [tilespmem:s28+$0x8180]  }
0x42: {  	v24 =	vsel vm3, $0x3F800000, v0;
	vm0 =	vlt.f32 v25, $0.0e+00;
	vm1 =	vgt.f32 v25, $0.0e+00;
	v20 =	vld [tilespmem:s28+$0x8000]  }
0x43: {  	v5 =	vadd.f32 v17, v5;
	v3 =	vadd.f32 v18, v3;
	vm1 =	vmor vm1, vm0;
	v27 =	vld [tilespmem:s28+$0x200]  }
0x44: {  	v1 =	vadd.f32 v24, v1;
	v18 =	vsel vm1, $0x3F800000, v0;
	v28 =	vld [tilespmem:s28+$0x8200];
	v17 =	vsub.f32 v26, v25  }
0x45: {  	v9 =	vadd.f32 v18, v9;
	vm0 =	vlt.f32 v23, $0.0e+00;
	vm2 =	vgt.f32 v23, $0.0e+00;
	v18 =	vld [tilespmem:s26+$0x8000]  }
0x46: {  	v24 =	vld [tilespmem:s28+$0x8080];
	vm3 =	vlt.f32 v19, $0.0e+00;
	vm4 =	vgt.f32 v19, $0.0e+00;
	vm0 =	vmor vm2, vm0  }
0x47: {  	v19 =	vsub.f32 v21, v19;
	v21 =	vsub.f32 v22, v23;
	v25 =	vld [tilespmem:s28+$0x8100];
	vm2 =	vmor vm4, vm3  }
0x48: {  	v23 =	vnsel vm1, $0x0, v17;
	vm3 =	vlt.f32 v20, $0.0e+00;
	vm4 =	vgt.f32 v20, $0.0e+00;
	v22 =	vld [tilespmem:s28+$0x80]  }
0x49: {  	v17 =	vnsel vm2, $0x0, v19;
	v19 =	vsel vm2, $0x3F800000, v0;
	v21 =	vnsel vm0, $0x0, v21  }
0x4a: {  	v29 =	vmul.f32 v17, v17;
	v13 =	vadd.f32 v19, v13;
	v17 =	vsub.f32 v27, v28;
	v26 =	vld [tilespmem:s28+$0x100]  }
0x4b: {  	vm5 =	vlt.f32 v28, $0.0e+00;
	v27 =	vld [tilespmem:s28+$0x0];
	vm1 =	vlt.f32 v24, $0.0e+00;
	vm2 =	vgt.f32 v24, $0.0e+00  }
0x4c: {  	vm6 =	vgt.f32 v28, $0.0e+00;
	v16 =	vadd.f32 v29, v16;
	vm2 =	vmor vm2, vm1  }
.Ltmp0:
0x4d: {  	v23 =	vmul.f32 v23, v23;
	vm7 =	vgt.f32 v25, $0.0e+00;
	v24 =	vsub.f32 v22, v24;
	(pc) =	sbr.rel @p0 .LBB2_3-.Ltmp0, $4  }
0x4e: {  	v19 =	vmul.f32 v21, v21;
	vm1 =	vmor vm4, vm3;
	v22 =	vsel vm2, $0x3F800000, v0  }
0x4f: {  	v14 =	vadd.f32 v23, v14;
	vm3 =	vlt.f32 v25, $0.0e+00;
	v25 =	vsub.f32 v26, v25;
	v21 =	vld [tilespmem:s26+$0x0]  }
0x50: {  	vm3 =	vmor vm7, vm3;
	v23 =	vnsel vm2, $0x0, v24;
	v20 =	vsub.f32 v27, v20  }
0x51: {  	s24 =	sadd.s32 $0x1, s24;
	s23 =	sadd.s32 $0x80, s23;
	vm2 =	vmor vm6, vm5;
	s26 =	smov.u32 s25;
	v23 =	vmul.f32 v23, v23;
	v24 =	vnsel vm3, $0x0, v25  }
0x52: {  	p0 =	seq.s32 s21, $0x3  }
0x53: {  	s22 =	sadd.s32 @!p0 s22, s8  }
0x54: {  	s22 =	sshll.u32 @!p0 s22, $0xB  }
0x55: {  	s22 =	sand.u32 @!p0 $0x1FFFF000, s22  }
0x56: {  	s24 =	simm.s32 @!p0 $0x0;
	s23 =	sadd.s32 @!p0 s1, s22  }
0x57: {  	[tilespmem:s24], [sflag:$0x1] =	stream.linear.gather @!p0 [hbm4b:s23+s24], $0x4000, $0x38;
	[tilespmem:$0x10400] =	vst v63  }
0x58: {  	s22 =	sadd.s32 @!p0 s3, s22;
	s23 =	simm.s32 @!p0 $0x8000  }
0x59: {  	[tilespmem:s23], [sflag:$0x3] =	stream.linear.gather @!p0 [hbm4b:s22+s24], $0x4000, $0x38;
	[tilespmem:$0x10400] =	vst v63  }
0x5a: {  	_ =	swait.ge [sflag:s16], $0x4000  }
0x5b: {  	[sflag:s16] =	ssyncset.done $0x0  }
0x5c: {  	[sflag:s16] =	ssyncadd.s32 $0xFFFFC000  }
0x5d: {  	s29 =	simm.s32 $0x0;
	_ =	swait.ge [sflag:s17], $0x4000  }
0x5e: {  	v10 =	vadd.f32 v22, v10;
	v22 =	vmul.f32 v24, v24;
	v24 =	vsel vm2, $0x3F800000, v0;
	s30 =	sand.u32 $0x70, s29;
	s31 =	sand.u32 $0x3C00, s29;
	[sflag:s17] =	ssyncset.done $0x0  }
0x5f: {  	vm4 =	vlt.f32 v18, $0.0e+00;
	v20 =	vnsel vm1, $0x0, v20;
	v15 =	vadd.f32 v23, v15;
	s23 =	sor.u32 s30, s31;
	[sflag:s17] =	ssyncadd.s32 $0xFFFFC000  }
0x60: {  	v23 =	vsel vm3, $0x3F800000, v0;
	vm3 =	vgt.f32 v18, $0.0e+00;
	v18 =	vsub.f32 v21, v18;
	v21 =	vld [tilespmem:s23+$0xC300]  }
0x61: {  	v12 =	vadd.f32 v22, v12;
	v7 =	vadd.f32 v23, v7;
	v22 =	vsel vm0, $0x3F800000, v0;
	v23 =	vld [tilespmem:s23+$0x4180]  }
0x62: {  	v17 =	vnsel vm2, $0x0, v17;
	v20 =	vmul.f32 v20, v20;
	v2 =	vadd.f32 v22, v2;
	v22 =	vld [tilespmem:s23+$0x4300]  }
0x63: {  	v25 =	vsel vm1, $0x3F800000, v0;
	v6 =	vadd.f32 v19, v6;
	vm3 =	vmor vm3, vm4;
	v19 =	vld [tilespmem:s23+$0xC280]  }
0x64: {  	v4 =	vadd.f32 v24, v4;
	v11 =	vadd.f32 v20, v11;
	v24 =	vsel vm3, $0x3F800000, v0;
	v20 =	vld [tilespmem:s23+$0xC180]  }
0x65: {  	v17 =	vmul.f32 v17, v17;
	v18 =	vnsel vm3, $0x0, v18;
	v1 =	vadd.f32 v24, v1;
	v24 =	vld [tilespmem:s23+$0xC100]  }
0x66: {  	v8 =	vadd.f32 v25, v8;
	v18 =	vmul.f32 v18, v18;
	v25 =	vld [tilespmem:s23+$0x4280]  }
0x67: {  	v5 =	vadd.f32 v17, v5  }
0x68: {  	v3 =	vadd.f32 v18, v3;
	v26 =	vld [tilespmem:s23+$0xC000];
	vm0 =	vlt.f32 v21, $0.0e+00;
	vm1 =	vgt.f32 v21, $0.0e+00  }
0x69: {  	v18 =	vsub.f32 v22, v21;
	vm2 =	vgt.f32 v19, $0.0e+00;
	vm3 =	vlt.f32 v20, $0.0e+00  }
0x6a: {  	v17 =	vld [tilespmem:s23+$0x4200];
	vm4 =	vgt.f32 v20, $0.0e+00;
	v20 =	vsub.f32 v23, v20;
	vm7 =	vgt.f32 v24, $0.0e+00  }
0x6b: {  	v22 =	vld [tilespmem:s23+$0xC200];
	vm1 =	vmor vm1, vm0;
	vm0 =	vlt.f32 v19, $0.0e+00;
	v19 =	vsub.f32 v25, v19  }
0x6c: {  	v27 =	vld [tilespmem:s23+$0x4100];
	v21 =	vsel vm1, $0x3F800000, v0;
	vm0 =	vmor vm2, vm0;
	vm2 =	vmor vm4, vm3  }
0x6d: {  	vm3 =	vlt.f32 v26, $0.0e+00;
	vm4 =	vgt.f32 v26, $0.0e+00;
	v9 =	vadd.f32 v21, v9;
	v21 =	vld [tilespmem:s23+$0xC080]  }
0x6e: {  	v23 =	vld [tilespmem:s23+$0x4080];
	v18 =	vnsel vm1, $0x0, v18;
	v20 =	vnsel vm2, $0x0, v20;
	v25 =	vsel vm2, $0x3F800000, v0  }
0x6f: {  	v19 =	vnsel vm0, $0x0, v19;
	v18 =	vmul.f32 v18, v18;
	v13 =	vadd.f32 v25, v13;
	v25 =	vld [tilespmem:s23+$0x4000]  }
0x70: {  	s22 =	sand.u32 $0x7, s29;
	v20 =	vmul.f32 v20, v20;
	v19 =	vmul.f32 v19, v19;
	v17 =	vsub.f32 v17, v22  }
0x71: {  	s22 =	sshll.u32 s22, $0x4;
	vm5 =	vlt.f32 v22, $0.0e+00;
	vm6 =	vgt.f32 v22, $0.0e+00;
	v14 =	vadd.f32 v18, v14  }
0x72: {  	s22 =	sadd.s32 $0x0, s22;
	v16 =	vadd.f32 v20, v16;
	vm1 =	vlt.f32 v21, $0.0e+00;
	vm2 =	vgt.f32 v21, $0.0e+00  }
0x73: {  	s22 =	sor.u32 $0x380, s22;
	v21 =	vsub.f32 v23, v21;
	vm2 =	vmor vm2, vm1;
	vm1 =	vmor vm4, vm3  }
0x74: {  	v18 =	vld [tilespmem:s22+$0xC000];
	vm3 =	vlt.f32 v24, $0.0e+00;
	v24 =	vsub.f32 v27, v24;
	v20 =	vsub.f32 v25, v26  }
0x75: {  	v22 =	vsel vm2, $0x3F800000, v0;
	v23 =	vnsel vm2, $0x0, v21;
	vm3 =	vmor vm7, vm3;
	v21 =	vld [tilespmem:s22+$0x4000]  }
0x76: {  	s25 =	simm.s32 $0x10;
	s23 =	simm.s32 $0x1;
	vm2 =	vmor vm6, vm5;
	s22 =	simm.s32 $0x80;
	v23 =	vmul.f32 v23, v23;
	v24 =	vnsel vm3, $0x0, v24  }
.LBB2_5:
0x77: {  	s24 =	sand.u32 $0x7, s23  }
0x78: {  	s26 =	sand.u32 $0x70, s25;
	s28 =	sand.u32 $0x3C00, s22;
	v10 =	vadd.f32 v22, v10;
	v22 =	vmul.f32 v24, v24;
	v24 =	vsel vm2, $0x3F800000, v0;
	s29 =	smov.u32 s25  }
0x79: {  	s29 =	sshll.u32 s24, $0x4;
	s26 =	sor.u32 s26, s28;
	s24 =	sadd.s32 $0x10, s25;
	v15 =	vadd.f32 v23, v15;
	v23 =	vsel vm3, $0x3F800000, v0;
	vm3 =	vgt.f32 v18, $0.0e+00  }
0x7a: {  	p0 =	sne.s32 s25, $0x7F0;
	vm4 =	vlt.f32 v18, $0.0e+00;
	s28 =	sadd.s32 s29, s22;
	v25 =	vld [tilespmem:s26+$0xC300];
	v12 =	vadd.f32 v22, v12;
	v18 =	vsub.f32 v21, v18  }
0x7b: {  	v20 =	vnsel vm1, $0x0, v20;
	v7 =	vadd.f32 v23, v7;
	vm3 =	vmor vm3, vm4;
	v21 =	vld [tilespmem:s26+$0x4180];
	s25 =	sor.u32 $0x380, s28  }
0x7c: {  	v17 =	vnsel vm2, $0x0, v17;
	v20 =	vmul.f32 v20, v20;
	v23 =	vsel vm0, $0x3F800000, v0;
	v22 =	vld [tilespmem:s26+$0x4280]  }
0x7d: {  	v27 =	vsel vm1, $0x3F800000, v0;
	v17 =	vmul.f32 v17, v17;
	v2 =	vadd.f32 v23, v2;
	v26 =	vld [tilespmem:s26+$0x4300]  }
0x7e: {  	v6 =	vadd.f32 v19, v6;
	v4 =	vadd.f32 v24, v4;
	v18 =	vnsel vm3, $0x0, v18;
	v23 =	vld [tilespmem:s26+$0xC280]  }
0x7f: {  	v8 =	vadd.f32 v27, v8;
	v11 =	vadd.f32 v20, v11;
	v18 =	vmul.f32 v18, v18;
	v19 =	vld [tilespmem:s26+$0xC180]  }
0x80: {  	v24 =	vsel vm3, $0x3F800000, v0;
	vm0 =	vlt.f32 v25, $0.0e+00;
	vm1 =	vgt.f32 v25, $0.0e+00;
	v20 =	vld [tilespmem:s26+$0xC000]  }
0x81: {  	v5 =	vadd.f32 v17, v5;
	v3 =	vadd.f32 v18, v3;
	vm1 =	vmor vm1, vm0;
	v27 =	vld [tilespmem:s26+$0x4200]  }
0x82: {  	v1 =	vadd.f32 v24, v1;
	v18 =	vsel vm1, $0x3F800000, v0;
	v28 =	vld [tilespmem:s26+$0xC200];
	v17 =	vsub.f32 v26, v25  }
0x83: {  	v9 =	vadd.f32 v18, v9;
	vm0 =	vlt.f32 v23, $0.0e+00;
	vm2 =	vgt.f32 v23, $0.0e+00;
	v18 =	vld [tilespmem:s25+$0xC000]  }
0x84: {  	v24 =	vld [tilespmem:s26+$0xC080];
	vm3 =	vlt.f32 v19, $0.0e+00;
	vm4 =	vgt.f32 v19, $0.0e+00;
	vm0 =	vmor vm2, vm0  }
0x85: {  	v19 =	vsub.f32 v21, v19;
	v21 =	vsub.f32 v22, v23;
	v25 =	vld [tilespmem:s26+$0xC100];
	vm2 =	vmor vm4, vm3  }
0x86: {  	v23 =	vnsel vm1, $0x0, v17;
	vm3 =	vlt.f32 v20, $0.0e+00;
	vm4 =	vgt.f32 v20, $0.0e+00;
	v22 =	vld [tilespmem:s26+$0x4080]  }
0x87: {  	v17 =	vnsel vm2, $0x0, v19;
	v19 =	vsel vm2, $0x3F800000, v0;
	v21 =	vnsel vm0, $0x0, v21  }
0x88: {  	v29 =	vmul.f32 v17, v17;
	v13 =	vadd.f32 v19, v13;
	v17 =	vsub.f32 v27, v28;
	v26 =	vld [tilespmem:s26+$0x4100]  }
0x89: {  	vm5 =	vlt.f32 v28, $0.0e+00;
	v27 =	vld [tilespmem:s26+$0x4000];
	vm1 =	vlt.f32 v24, $0.0e+00;
	vm2 =	vgt.f32 v24, $0.0e+00  }
0x8a: {  	vm6 =	vgt.f32 v28, $0.0e+00;
	v16 =	vadd.f32 v29, v16;
	vm2 =	vmor vm2, vm1  }
.Ltmp1:
0x8b: {  	v23 =	vmul.f32 v23, v23;
	vm7 =	vgt.f32 v25, $0.0e+00;
	v24 =	vsub.f32 v22, v24;
	(pc) =	sbr.rel @p0 .LBB2_5-.Ltmp1, $4  }
0x8c: {  	v19 =	vmul.f32 v21, v21;
	vm1 =	vmor vm4, vm3;
	v22 =	vsel vm2, $0x3F800000, v0  }
0x8d: {  	v14 =	vadd.f32 v23, v14;
	vm3 =	vlt.f32 v25, $0.0e+00;
	v25 =	vsub.f32 v26, v25;
	v21 =	vld [tilespmem:s25+$0x4000]  }
0x8e: {  	vm3 =	vmor vm7, vm3;
	v23 =	vnsel vm2, $0x0, v24;
	v20 =	vsub.f32 v27, v20  }
0x8f: {  	s23 =	sadd.s32 $0x1, s23;
	s22 =	sadd.s32 $0x80, s22;
	vm2 =	vmor vm6, vm5;
	s25 =	smov.u32 s24;
	v23 =	vmul.f32 v23, v23;
	v24 =	vnsel vm3, $0x0, v25  }
0x90: {  	v10 =	vadd.f32 v22, v10;
	v59 =	vmul.f32 v24, v24  }
0x91: {  	v60 =	vsel vm2, $0x3F800000, v0;
	v61 =	vsel vm3, $0x3F800000, v0;
	vm15 =	vgt.f32 v18, $0.0e+00  }
0x92: {  	vm4 =	vlt.f32 v18, $0.0e+00;
	v20 =	vnsel vm1, $0x0, v20;
	v17 =	vnsel vm2, $0x0, v17  }
0x93: {  	v62 =	vsel vm0, $0x3F800000, v0;
	v6 =	vadd.f32 v19, v6;
	s21 =	sadd.s32 $0x1, s21;
	v15 =	vadd.f32 v23, v15  }
0x94: {  	v63 =	vsel vm1, $0x3F800000, v0;
	v7 =	vadd.f32 v61, v7;
	p0 =	sne.s32 s21, $0x4;
	v18 =	vsub.f32 v21, v18  }
.Ltmp2:
0x95: {  	vm3 =	vmor vm15, vm4;
	v20 =	vmul.f32 v20, v20;
	v17 =	vmul.f32 v17, v17;
	(pc) =	sbr.rel @p0 .LBB2_2-.Ltmp2, $4  }
0x96: {  	v2 =	vadd.f32 v62, v2;
	v4 =	vadd.f32 v60, v4;
	v18 =	vnsel vm3, $0x0, v18  }
0x97: {  	v8 =	vadd.f32 v63, v8;
	v12 =	vadd.f32 v59, v12;
	v18 =	vmul.f32 v18, v18  }
0x98: {  	v19 =	vsel vm3, $0x3F800000, v0;
	v11 =	vadd.f32 v20, v11;
	v5 =	vadd.f32 v17, v5  }
0x99: {  	v1 =	vadd.f32 v19, v1;
	v3 =	vadd.f32 v18, v3  }
0x9a: {  	v11 =	vadd.f32 v15, v11  }
0x9b: {  	v8 =	vadd.f32 v10, v8  }
0x9c: {  	v61 =	vadd.f32 v12, v11  }
0x9d: {  	v7 =	vadd.f32 v7, v8  }
0x9e: {  	v62 =	vadd.f32 v16, v61  }
0x9f: {  	v7 =	vadd.f32 v13, v7  }
0xa0: {  	v5 =	vadd.f32 v5, v62  }
0xa1: {  	v4 =	vadd.f32 v4, v7  }
0xa2: {  	v5 =	vadd.f32 v6, v5  }
0xa3: {  	v2 =	vadd.f32 v2, v4  }
0xa4: {  	v63 =	vadd.f32 v14, v5  }
0xa5: {  	v2 =	vadd.f32 v9, v2  }
0xa6: {  	v3 =	vadd.f32 v3, v63  }
0xa7: {  	s20 =	sadd.s32 $0x1, s20;
	v1 =	vadd.f32 v1, v2  }
0xa8: {  	p0 =	sne.s32 s20, s10;
	[tilespmem:$0x10000] =	vst v3  }
.Ltmp3:
0xa9: {  	[tilespmem:$0x10080] =	vst v1;
	(pc) =	sbr.rel @p0 .LBB2_1-.Ltmp3, $4  }
0xaa: {  	[hbm4b:s9+s4] =	stream.linear.scatter [tilespmem:s18], [sflag:$0x5], $0x400, $0x38;
	[tilespmem:$0x10400] =	vst v63  }
0xab: {  	_ =	swait.ge [sflag:s19], $0x400  }
0xac: {  	[sflag:s19] =	ssyncset.done $0x0  }
0xad: {  	[sflag:s19] =	ssyncadd.s32 $0xFFFFFC00  }
0xae: {  	_ =	sfence.sel $0x180000  }
0xaf: {  	[bflag:$0x0] =	sbarrier.arrive $0xFFFF  }
0xb0: {  	p0 =	sne.s32 s0, $0x0;
	_ =	strace $0x90000047  }
0xb1: {  	s0 =	sadd.s32 @!p0 $0x100000, s2;
	[bflag:$0x2] =	sbarrier.arrive $0xFFFF  }
0xb2: {  	[sflag:s0] =	ssyncadd.tile.s32 @!p0 $0x1;
	_ =	shalt  }
.Lfunc_end2:
_tile_overlayer_lowered:
.L_overlay_start_2:
0xb3: {  	(tag) =	ssettag $0x2  }
0xb4: {  	s0 =	rddreg [dreg:$0x0];
	s2 =	stileid.u32  }
0xb5: {  	s1 =	rddreg [dreg:$0x1];
	p0 =	sne.s32 s2, $0x0  }
0xb6: {  	s3 =	rddreg [dreg:$0x2];
	[bflag:$0x3] =	sbarrier.arrive $0xFFFF;
	s2 =	simm.s32 @!p0 $0x1C05  }
0xb7: {  	[timem:s3], [sflag:s2] =	dma.local @!p0 [hbm:s0], s1  }
0xb8: {  	s0 =	simm.s32 @!p0 $0x5  }
0xb9: {  	_ =	swait.ge @!p0 [sflag:s0], s1  }
0xba: {  	s1 =	ssub.s32 @!p0 $0x0, s1;
	[sflag:s0] =	ssyncset.done @!p0 $0x0  }
0xbb: {  	[sflag:s0] =	ssyncadd.s32 @!p0 s1  }
0xbc: {  	[bflag:$0x3] =	sbarrier.arrive $0xFFFF  }
0xbd: {  	_ =	shalt  }

</sc_bundles>
